<compile_context>
chip_gen: v7x
topology: tpu7x:2x2x1
jax: 0.10.2.dev20260603
libtpu: 0.0.44.dev20260713+nightly
codegen_flags: <defaults>
</compile_context>

<pallas_src>
import functools

import jax
import jax.numpy as jnp
from jax import lax
from jax.experimental import pallas as pl
from jax.experimental.pallas import tpu as pltpu
from jax.experimental.pallas import tpu_sc as plsc

B = 16384
D = 32
L = 50
LANES = 128
BAND = (L - 1) // 8 * 8
BROW = (L - 1) - BAND

_info = plsc.get_sparse_core_info()
_NC = _info.num_cores
_NS = _info.num_subcores
NW = _NC * _NS
B_PER_W = B // NW
NSLOT = 8
GVEC = 16
GROUPS = B_PER_W // GVEC

_mesh = plsc.VectorSubcoreMesh(core_axis_name="c", subcore_axis_name="s")


@functools.partial(
    pl.kernel,
    mesh=_mesh,
    out_type=jax.ShapeDtypeStruct((B, D), jnp.float32),
    scratch_types=[
        pltpu.VMEM((L - BAND, B_PER_W), jnp.int32),
        pltpu.VMEM((NSLOT, D, LANES), jnp.float32),
        pltpu.VMEM((B_PER_W, D), jnp.float32),
        pltpu.SemaphoreType.DMA((NSLOT,)),
    ],
    compiler_params=pltpu.CompilerParams(needs_layout_passes=False),
)
def _gather_kernel(act_t_hbm, table_t_hbm, out_hbm, idx_v, stage_v, out_v, sems):
    wid = lax.axis_index("s") * _NC + lax.axis_index("c")
    base = wid * B_PER_W
    pltpu.sync_copy(
        act_t_hbm.at[pl.ds(BAND, L - BAND), pl.ds(base, B_PER_W)], idx_v
    )

    rows_lo = lax.iota(jnp.int32, 16)
    rows_hi = rows_lo + 16

    def fire(v, slot):
        col0 = pl.multiple_of((v >> 7) * LANES, LANES)
        pltpu.async_copy(
            table_t_hbm.at[:, pl.ds(col0, LANES)],
            stage_v.at[slot],
            sems.at[slot],
        )

    def vec16(g):
        return idx_v[BROW, pl.ds(g * GVEC, GVEC)]

    vec0 = vec16(0)
    for k in range(NSLOT):
        fire(vec0[k], k)

    def body(g, carry):
        vec = vec16(g)
        vec_next = vec16((g + 1) % GROUPS)
        last = g == GROUPS - 1
        for k in range(GVEC):
            slot = k % NSLOT
            pltpu.make_async_copy(
                table_t_hbm.at[:, pl.ds(0, LANES)],
                stage_v.at[slot],
                sems.at[slot],
            ).wait()
            lane = jnp.full((16,), vec[k] & 127, jnp.int32)
            lo = plsc.load_gather(stage_v.at[slot], [rows_lo, lane])
            hi = plsc.load_gather(stage_v.at[slot], [rows_hi, lane])
            j = g * GVEC + k
            out_v[j, pl.ds(0, 16)] = lo
            out_v[j, pl.ds(16, 16)] = hi
            if k < NSLOT:
                fire(vec[k + NSLOT], slot)
            else:

                @pl.when(jnp.logical_not(last))
                def _():
                    fire(vec_next[k - NSLOT], slot)

        return carry

    lax.fori_loop(0, GROUPS, body, 0)
    pltpu.sync_copy(out_v, out_hbm.at[pl.ds(base, B_PER_W)])


def kernel(actionList, table):
    return _gather_kernel(actionList.astype(jnp.int32).T, table.T)

# --- scband reference (transcript-rebuilt; emitter-appended) ---
"""Pipeline reference for scband-path-encoder-36429912605386 (READ-ONLY COPY).

The authoritative reference and input builder live on the scoring server;
editing this copy changes nothing except your own understanding.
"""

import jax, jax.numpy as jnp
import numpy as np

B = 16384
L = 50
VOCAB = 1000000
DIM = 32


def setup_inputs(seed: int = 0) -> dict:
    key = jax.random.key(seed)
    k1, k2 = jax.random.split(key)
    actionList = jax.random.randint(k1, (B, L), 0, VOCAB, dtype=jnp.int64)
    table = jax.random.normal(k2, (VOCAB, DIM), dtype=jnp.float32) * 0.02
    return {"actionList": actionList, "table": table}


def reference(actionList, table):
    # PathEncoder.forward: take last node of each action path, embed, squeeze
    current_node = actionList[:, -1:]                 # [B, 1]
    current_node_emb = jnp.take(table, current_node, axis=0)  # [B, 1, D]
    current_node_emb = jnp.squeeze(current_node_emb, axis=1)  # [B, D]
    return current_node_emb

if __name__ == "__main__":
    import jax
    _d = setup_inputs()
    print(jax.jit(kernel)(*tuple(_d.values())))

</pallas_src>

<mosaic_0001>
#map = affine_map<(d0, d1) -> (0, 0)>
module attributes {stable_mosaic.version = 14 : i64} {
  func.func @_gather_kernel(%arg0: i32, %arg1: i32, %arg2: memref<50x16384xi32, #tpu.memory_space<hbm>>, %arg3: memref<32x1000000xf32, #tpu.memory_space<hbm>>, %arg4: memref<16384x32xf32, #tpu.memory_space<hbm>>, %arg5: memref<2x512xi32, #tpu.memory_space<vmem>>, %arg6: memref<8x32x128xf32, #tpu.memory_space<vmem>>, %arg7: memref<512x32xf32, #tpu.memory_space<vmem>>, %arg8: memref<8x!tpu.dma_semaphore, #tpu.memory_space<semaphore_mem>>) attributes {dimension_semantics = [#tpu.dimension_semantics<core_parallel>, #tpu.dimension_semantics<subcore_parallel>], iteration_bounds = array<i64: 2, 16>, scalar_prefetch = 0 : i64, scratch_operands = 4 : i64, tpu.core_type = #tpu.core_type<sc_vector_subcore>, window_params = [{transform_indices = #map}, {transform_indices = #map}, {transform_indices = #map}]} {
    %mul3A = arith.constant 2 : i32
    %mul3A_0 = arith.muli %arg1, %mul3A : i32
    %add3A = arith.addi %mul3A_0, %arg0 : i32
    %mul3A_1 = arith.constant 512 : i32
    %mul3A_2 = arith.muli %add3A, %mul3A_1 : i32
    "tpu.region"() ({
      %run_scoped3A = tpu.sem_alloc : memref<!tpu.dma_semaphore, #tpu.memory_space<semaphore_mem>>
      %dma_start3A_193 = arith.constant 48 : i32
      %dma_start3A_194 = tpu.memref_slice %arg2[%dma_start3A_193, %mul3A_2] : memref<50x16384xi32, #tpu.memory_space<hbm>> -> memref<2x512xi32, #tpu.memory_space<hbm>>
      %dma_start3A_195 = arith.constant 48 : i32
      %dma_start3A_196 = tpu.memref_slice %arg2[%dma_start3A_195, %mul3A_2] : memref<50x16384xi32, #tpu.memory_space<hbm>> -> memref<2x512xi32, #tpu.memory_space<hbm>>
      tpu.enqueue_dma source(%dma_start3A_196 : memref<2x512xi32, #tpu.memory_space<hbm>>) target(%arg5 : memref<2x512xi32, #tpu.memory_space<vmem>>) target_semaphore(%run_scoped3A : memref<!tpu.dma_semaphore, #tpu.memory_space<semaphore_mem>>)
      %dma_wait3A = arith.constant 48 : i32
      %dma_wait3A_197 = tpu.memref_slice %arg2[%dma_wait3A, %mul3A_2] : memref<50x16384xi32, #tpu.memory_space<hbm>> -> memref<2x512xi32, #tpu.memory_space<hbm>>
      %dma_wait3A_198 = arith.constant 48 : i32
      %dma_wait3A_199 = tpu.memref_slice %arg2[%dma_wait3A_198, %mul3A_2] : memref<50x16384xi32, #tpu.memory_space<hbm>> -> memref<2x512xi32, #tpu.memory_space<hbm>>
      tpu.wait_dma2 semaphore(%run_scoped3A : memref<!tpu.dma_semaphore, #tpu.memory_space<semaphore_mem>>) src(%dma_wait3A_199 : memref<2x512xi32, #tpu.memory_space<hbm>>) dst(%arg5 : memref<2x512xi32, #tpu.memory_space<vmem>>)
      tpu.yield
    }) : () -> ()
    %iota3A = tpu.iota {dimensions = array<i32: 0>} : vector<16xi32>
    %add3A_3 = arith.constant 16 : i32
    %add3A_4 = vector.broadcast %add3A_3 : i32 to vector<16xi32>
    %add3A_5 = arith.addi %iota3A, %add3A_4 : vector<16xi32>
    %get3A = arith.constant 1 : i32
    %get3A_6 = arith.index_cast %get3A : i32 to index
    %get3A_7 = arith.constant 0 : index
    %get3A_8 = tpu.vector_load %arg5[%get3A_6, %get3A_7] {strides = array<i32>} : memref<2x512xi32, #tpu.memory_space<vmem>>, vector<16xi32>,
    %slice3A = vector.extract_strided_slice %get3A_8 {offsets = [0], sizes = [1], strides = [1]} : vector<16xi32> to vector<1xi32>
    %squeeze3A = vector.extract %slice3A[0] : i32 from vector<1xi32>
    %shift_right_arithmetic3A = arith.constant 7 : i32
    %shift_right_arithmetic3A_9 = arith.shrsi %squeeze3A, %shift_right_arithmetic3A : i32
    %mul3A_10 = arith.constant 128 : i32
    %mul3A_11 = arith.muli %shift_right_arithmetic3A_9, %mul3A_10 : i32
    %multiple_of3A = tpu.assume_multiple %mul3A_11, 128 : i32
    %dma_start3A = arith.constant 0 : i32
    %dma_start3A_12 = arith.constant 0 : i32
    %dma_start3A_13 = arith.constant 0 : i32
    %dma_start3A_14 = arith.constant 0 : i32
    %dma_start3A_15 = tpu.memref_slice %arg6[%dma_start3A, %dma_start3A_13, %dma_start3A_14] : memref<8x32x128xf32, #tpu.memory_space<vmem>> -> memref<1x32x128xf32, #tpu.memory_space<vmem>>
    %dma_start3A_16 = tpu.memref_squeeze %dma_start3A_15 : memref<1x32x128xf32, #tpu.memory_space<vmem>> -> memref<32x128xf32, #tpu.memory_space<vmem>>
    %dma_start3A_17 = arith.constant 0 : i32
    %dma_start3A_18 = tpu.memref_slice %arg3[%dma_start3A_17, %multiple_of3A] : memref<32x1000000xf32, #tpu.memory_space<hbm>> -> memref<32x128xf32, #tpu.memory_space<hbm>>
    %dma_start3A_19 = tpu.memref_slice %arg8[%dma_start3A_12] : memref<8x!tpu.dma_semaphore, #tpu.memory_space<semaphore_mem>> -> memref<1x!tpu.dma_semaphore, #tpu.memory_space<semaphore_mem>>
    %dma_start3A_20 = tpu.memref_squeeze %dma_start3A_19 : memref<1x!tpu.dma_semaphore, #tpu.memory_space<semaphore_mem>> -> memref<!tpu.dma_semaphore, #tpu.memory_space<semaphore_mem>>
    %dma_start3A_21 = arith.constant 0 : i32
    %dma_start3A_22 = arith.constant 0 : i32
    %dma_start3A_23 = tpu.memref_slice %arg6[%dma_start3A, %dma_start3A_21, %dma_start3A_22] : memref<8x32x128xf32, #tpu.memory_space<vmem>> -> memref<1x32x128xf32, #tpu.memory_space<vmem>>
    %dma_start3A_24 = tpu.memref_squeeze %dma_start3A_23 : memref<1x32x128xf32, #tpu.memory_space<vmem>> -> memref<32x128xf32, #tpu.memory_space<vmem>>
    %dma_start3A_25 = arith.constant 0 : i32
    %dma_start3A_26 = tpu.memref_slice %arg3[%dma_start3A_25, %multiple_of3A] : memref<32x1000000xf32, #tpu.memory_space<hbm>> -> memref<32x128xf32, #tpu.memory_space<hbm>>
    tpu.enqueue_dma source(%dma_start3A_26 : memref<32x128xf32, #tpu.memory_space<hbm>>) target(%dma_start3A_24 : memref<32x128xf32, #tpu.memory_space<vmem>>) target_semaphore(%dma_start3A_20 : memref<!tpu.dma_semaphore, #tpu.memory_space<semaphore_mem>>)
    %slice3A_27 = vector.extract_strided_slice %get3A_8 {offsets = [1], sizes = [1], strides = [1]} : vector<16xi32> to vector<1xi32>
    %squeeze3A_28 = vector.extract %slice3A_27[0] : i32 from vector<1xi32>
    %shift_right_arithmetic3A_29 = arith.constant 7 : i32
    %shift_right_arithmetic3A_30 = arith.shrsi %squeeze3A_28, %shift_right_arithmetic3A_29 : i32
    %mul3A_31 = arith.constant 128 : i32
    %mul3A_32 = arith.muli %shift_right_arithmetic3A_30, %mul3A_31 : i32
    %multiple_of3A_33 = tpu.assume_multiple %mul3A_32, 128 : i32
    %dma_start3A_34 = arith.constant 1 : i32
    %dma_start3A_35 = arith.constant 1 : i32
    %dma_start3A_36 = arith.constant 0 : i32
    %dma_start3A_37 = arith.constant 0 : i32
    %dma_start3A_38 = tpu.memref_slice %arg6[%dma_start3A_34, %dma_start3A_36, %dma_start3A_37] : memref<8x32x128xf32, #tpu.memory_space<vmem>> -> memref<1x32x128xf32, #tpu.memory_space<vmem>>
    %dma_start3A_39 = tpu.memref_squeeze %dma_start3A_38 : memref<1x32x128xf32, #tpu.memory_space<vmem>> -> memref<32x128xf32, #tpu.memory_space<vmem>>
    %dma_start3A_40 = arith.constant 0 : i32
    %dma_start3A_41 = tpu.memref_slice %arg3[%dma_start3A_40, %multiple_of3A_33] : memref<32x1000000xf32, #tpu.memory_space<hbm>> -> memref<32x128xf32, #tpu.memory_space<hbm>>
    %dma_start3A_42 = tpu.memref_slice %arg8[%dma_start3A_35] : memref<8x!tpu.dma_semaphore, #tpu.memory_space<semaphore_mem>> -> memref<1x!tpu.dma_semaphore, #tpu.memory_space<semaphore_mem>>
    %dma_start3A_43 = tpu.memref_squeeze %dma_start3A_42 : memref<1x!tpu.dma_semaphore, #tpu.memory_space<semaphore_mem>> -> memref<!tpu.dma_semaphore, #tpu.memory_space<semaphore_mem>>
    %dma_start3A_44 = arith.constant 0 : i32
    %dma_start3A_45 = arith.constant 0 : i32
    %dma_start3A_46 = tpu.memref_slice %arg6[%dma_start3A_34, %dma_start3A_44, %dma_start3A_45] : memref<8x32x128xf32, #tpu.memory_space<vmem>> -> memref<1x32x128xf32, #tpu.memory_space<vmem>>
    %dma_start3A_47 = tpu.memref_squeeze %dma_start3A_46 : memref<1x32x128xf32, #tpu.memory_space<vmem>> -> memref<32x128xf32, #tpu.memory_space<vmem>>
    %dma_start3A_48 = arith.constant 0 : i32
    %dma_start3A_49 = tpu.memref_slice %arg3[%dma_start3A_48, %multiple_of3A_33] : memref<32x1000000xf32, #tpu.memory_space<hbm>> -> memref<32x128xf32, #tpu.memory_space<hbm>>
    tpu.enqueue_dma source(%dma_start3A_49 : memref<32x128xf32, #tpu.memory_space<hbm>>) target(%dma_start3A_47 : memref<32x128xf32, #tpu.memory_space<vmem>>) target_semaphore(%dma_start3A_43 : memref<!tpu.dma_semaphore, #tpu.memory_space<semaphore_mem>>)
    %slice3A_50 = vector.extract_strided_slice %get3A_8 {offsets = [2], sizes = [1], strides = [1]} : vector<16xi32> to vector<1xi32>
    %squeeze3A_51 = vector.extract %slice3A_50[0] : i32 from vector<1xi32>
    %shift_right_arithmetic3A_52 = arith.constant 7 : i32
    %shift_right_arithmetic3A_53 = arith.shrsi %squeeze3A_51, %shift_right_arithmetic3A_52 : i32
    %mul3A_54 = arith.constant 128 : i32
    %mul3A_55 = arith.muli %shift_right_arithmetic3A_53, %mul3A_54 : i32
    %multiple_of3A_56 = tpu.assume_multiple %mul3A_55, 128 : i32
    %dma_start3A_57 = arith.constant 2 : i32
    %dma_start3A_58 = arith.constant 2 : i32
    %dma_start3A_59 = arith.constant 0 : i32
    %dma_start3A_60 = arith.constant 0 : i32
    %dma_start3A_61 = tpu.memref_slice %arg6[%dma_start3A_57, %dma_start3A_59, %dma_start3A_60] : memref<8x32x128xf32, #tpu.memory_space<vmem>> -> memref<1x32x128xf32, #tpu.memory_space<vmem>>
    %dma_start3A_62 = tpu.memref_squeeze %dma_start3A_61 : memref<1x32x128xf32, #tpu.memory_space<vmem>> -> memref<32x128xf32, #tpu.memory_space<vmem>>
    %dma_start3A_63 = arith.constant 0 : i32
    %dma_start3A_64 = tpu.memref_slice %arg3[%dma_start3A_63, %multiple_of3A_56] : memref<32x1000000xf32, #tpu.memory_space<hbm>> -> memref<32x128xf32, #tpu.memory_space<hbm>>
    %dma_start3A_65 = tpu.memref_slice %arg8[%dma_start3A_58] : memref<8x!tpu.dma_semaphore, #tpu.memory_space<semaphore_mem>> -> memref<1x!tpu.dma_semaphore, #tpu.memory_space<semaphore_mem>>
    %dma_start3A_66 = tpu.memref_squeeze %dma_start3A_65 : memref<1x!tpu.dma_semaphore, #tpu.memory_space<semaphore_mem>> -> memref<!tpu.dma_semaphore, #tpu.memory_space<semaphore_mem>>
    %dma_start3A_67 = arith.constant 0 : i32
    %dma_start3A_68 = arith.constant 0 : i32
    %dma_start3A_69 = tpu.memref_slice %arg6[%dma_start3A_57, %dma_start3A_67, %dma_start3A_68] : memref<8x32x128xf32, #tpu.memory_space<vmem>> -> memref<1x32x128xf32, #tpu.memory_space<vmem>>
    %dma_start3A_70 = tpu.memref_squeeze %dma_start3A_69 : memref<1x32x128xf32, #tpu.memory_space<vmem>> -> memref<32x128xf32, #tpu.memory_space<vmem>>
    %dma_start3A_71 = arith.constant 0 : i32
    %dma_start3A_72 = tpu.memref_slice %arg3[%dma_start3A_71, %multiple_of3A_56] : memref<32x1000000xf32, #tpu.memory_space<hbm>> -> memref<32x128xf32, #tpu.memory_space<hbm>>
    tpu.enqueue_dma source(%dma_start3A_72 : memref<32x128xf32, #tpu.memory_space<hbm>>) target(%dma_start3A_70 : memref<32x128xf32, #tpu.memory_space<vmem>>) target_semaphore(%dma_start3A_66 : memref<!tpu.dma_semaphore, #tpu.memory_space<semaphore_mem>>)
    %slice3A_73 = vector.extract_strided_slice %get3A_8 {offsets = [3], sizes = [1], strides = [1]} : vector<16xi32> to vector<1xi32>
    %squeeze3A_74 = vector.extract %slice3A_73[0] : i32 from vector<1xi32>
    %shift_right_arithmetic3A_75 = arith.constant 7 : i32
    %shift_right_arithmetic3A_76 = arith.shrsi %squeeze3A_74, %shift_right_arithmetic3A_75 : i32
    %mul3A_77 = arith.constant 128 : i32
    %mul3A_78 = arith.muli %shift_right_arithmetic3A_76, %mul3A_77 : i32
    %multiple_of3A_79 = tpu.assume_multiple %mul3A_78, 128 : i32
    %dma_start3A_80 = arith.constant 3 : i32
    %dma_start3A_81 = arith.constant 3 : i32
    %dma_start3A_82 = arith.constant 0 : i32
    %dma_start3A_83 = arith.constant 0 : i32
    %dma_start3A_84 = tpu.memref_slice %arg6[%dma_start3A_80, %dma_start3A_82, %dma_start3A_83] : memref<8x32x128xf32, #tpu.memory_space<vmem>> -> memref<1x32x128xf32, #tpu.memory_space<vmem>>
    %dma_start3A_85 = tpu.memref_squeeze %dma_start3A_84 : memref<1x32x128xf32, #tpu.memory_space<vmem>> -> memref<32x128xf32, #tpu.memory_space<vmem>>
    %dma_start3A_86 = arith.constant 0 : i32
    %dma_start3A_87 = tpu.memref_slice %arg3[%dma_start3A_86, %multiple_of3A_79] : memref<32x1000000xf32, #tpu.memory_space<hbm>> -> memref<32x128xf32, #tpu.memory_space<hbm>>
    %dma_start3A_88 = tpu.memref_slice %arg8[%dma_start3A_81] : memref<8x!tpu.dma_semaphore, #tpu.memory_space<semaphore_mem>> -> memref<1x!tpu.dma_semaphore, #tpu.memory_space<semaphore_mem>>
    %dma_start3A_89 = tpu.memref_squeeze %dma_start3A_88 : memref<1x!tpu.dma_semaphore, #tpu.memory_space<semaphore_mem>> -> memref<!tpu.dma_semaphore, #tpu.memory_space<semaphore_mem>>
    %dma_start3A_90 = arith.constant 0 : i32
    %dma_start3A_91 = arith.constant 0 : i32
    %dma_start3A_92 = tpu.memref_slice %arg6[%dma_start3A_80, %dma_start3A_90, %dma_start3A_91] : memref<8x32x128xf32, #tpu.memory_space<vmem>> -> memref<1x32x128xf32, #tpu.memory_space<vmem>>
    %dma_start3A_93 = tpu.memref_squeeze %dma_start3A_92 : memref<1x32x128xf32, #tpu.memory_space<vmem>> -> memref<32x128xf32, #tpu.memory_space<vmem>>
    %dma_start3A_94 = arith.constant 0 : i32
    %dma_start3A_95 = tpu.memref_slice %arg3[%dma_start3A_94, %multiple_of3A_79] : memref<32x1000000xf32, #tpu.memory_space<hbm>> -> memref<32x128xf32, #tpu.memory_space<hbm>>
    tpu.enqueue_dma source(%dma_start3A_95 : memref<32x128xf32, #tpu.memory_space<hbm>>) target(%dma_start3A_93 : memref<32x128xf32, #tpu.memory_space<vmem>>) target_semaphore(%dma_start3A_89 : memref<!tpu.dma_semaphore, #tpu.memory_space<semaphore_mem>>)
    %slice3A_96 = vector.extract_strided_slice %get3A_8 {offsets = [4], sizes = [1], strides = [1]} : vector<16xi32> to vector<1xi32>
    %squeeze3A_97 = vector.extract %slice3A_96[0] : i32 from vector<1xi32>
    %shift_right_arithmetic3A_98 = arith.constant 7 : i32
    %shift_right_arithmetic3A_99 = arith.shrsi %squeeze3A_97, %shift_right_arithmetic3A_98 : i32
    %mul3A_100 = arith.constant 128 : i32
    %mul3A_101 = arith.muli %shift_right_arithmetic3A_99, %mul3A_100 : i32
    %multiple_of3A_102 = tpu.assume_multiple %mul3A_101, 128 : i32
    %dma_start3A_103 = arith.constant 4 : i32
    %dma_start3A_104 = arith.constant 4 : i32
    %dma_start3A_105 = arith.constant 0 : i32
    %dma_start3A_106 = arith.constant 0 : i32
    %dma_start3A_107 = tpu.memref_slice %arg6[%dma_start3A_103, %dma_start3A_105, %dma_start3A_106] : memref<8x32x128xf32, #tpu.memory_space<vmem>> -> memref<1x32x128xf32, #tpu.memory_space<vmem>>
    %dma_start3A_108 = tpu.memref_squeeze %dma_start3A_107 : memref<1x32x128xf32, #tpu.memory_space<vmem>> -> memref<32x128xf32, #tpu.memory_space<vmem>>
    %dma_start3A_109 = arith.constant 0 : i32
    %dma_start3A_110 = tpu.memref_slice %arg3[%dma_start3A_109, %multiple_of3A_102] : memref<32x1000000xf32, #tpu.memory_space<hbm>> -> memref<32x128xf32, #tpu.memory_space<hbm>>
    %dma_start3A_111 = tpu.memref_slice %arg8[%dma_start3A_104] : memref<8x!tpu.dma_semaphore, #tpu.memory_space<semaphore_mem>> -> memref<1x!tpu.dma_semaphore, #tpu.memory_space<semaphore_mem>>
    %dma_start3A_112 = tpu.memref_squeeze %dma_start3A_111 : memref<1x!tpu.dma_semaphore, #tpu.memory_space<semaphore_mem>> -> memref<!tpu.dma_semaphore, #tpu.memory_space<semaphore_mem>>
    %dma_start3A_113 = arith.constant 0 : i32
    %dma_start3A_114 = arith.constant 0 : i32
    %dma_start3A_115 = tpu.memref_slice %arg6[%dma_start3A_103, %dma_start3A_113, %dma_start3A_114] : memref<8x32x128xf32, #tpu.memory_space<vmem>> -> memref<1x32x128xf32, #tpu.memory_space<vmem>>
    %dma_start3A_116 = tpu.memref_squeeze %dma_start3A_115 : memref<1x32x128xf32, #tpu.memory_space<vmem>> -> memref<32x128xf32, #tpu.memory_space<vmem>>
    %dma_start3A_117 = arith.constant 0 : i32
    %dma_start3A_118 = tpu.memref_slice %arg3[%dma_start3A_117, %multiple_of3A_102] : memref<32x1000000xf32, #tpu.memory_space<hbm>> -> memref<32x128xf32, #tpu.memory_space<hbm>>
    tpu.enqueue_dma source(%dma_start3A_118 : memref<32x128xf32, #tpu.memory_space<hbm>>) target(%dma_start3A_116 : memref<32x128xf32, #tpu.memory_space<vmem>>) target_semaphore(%dma_start3A_112 : memref<!tpu.dma_semaphore, #tpu.memory_space<semaphore_mem>>)
    %slice3A_119 = vector.extract_strided_slice %get3A_8 {offsets = [5], sizes = [1], strides = [1]} : vector<16xi32> to vector<1xi32>
    %squeeze3A_120 = vector.extract %slice3A_119[0] : i32 from vector<1xi32>
    %shift_right_arithmetic3A_121 = arith.constant 7 : i32
    %shift_right_arithmetic3A_122 = arith.shrsi %squeeze3A_120, %shift_right_arithmetic3A_121 : i32
    %mul3A_123 = arith.constant 128 : i32
    %mul3A_124 = arith.muli %shift_right_arithmetic3A_122, %mul3A_123 : i32
    %multiple_of3A_125 = tpu.assume_multiple %mul3A_124, 128 : i32
    %dma_start3A_126 = arith.constant 5 : i32
    %dma_start3A_127 = arith.constant 5 : i32
    %dma_start3A_128 = arith.constant 0 : i32
    %dma_start3A_129 = arith.constant 0 : i32
    %dma_start3A_130 = tpu.memref_slice %arg6[%dma_start3A_126, %dma_start3A_128, %dma_start3A_129] : memref<8x32x128xf32, #tpu.memory_space<vmem>> -> memref<1x32x128xf32, #tpu.memory_space<vmem>>
    %dma_start3A_131 = tpu.memref_squeeze %dma_start3A_130 : memref<1x32x128xf32, #tpu.memory_space<vmem>> -> memref<32x128xf32, #tpu.memory_space<vmem>>
    %dma_start3A_132 = arith.constant 0 : i32
    %dma_start3A_133 = tpu.memref_slice %arg3[%dma_start3A_132, %multiple_of3A_125] : memref<32x1000000xf32, #tpu.memory_space<hbm>> -> memref<32x128xf32, #tpu.memory_space<hbm>>
    %dma_start3A_134 = tpu.memref_slice %arg8[%dma_start3A_127] : memref<8x!tpu.dma_semaphore, #tpu.memory_space<semaphore_mem>> -> memref<1x!tpu.dma_semaphore, #tpu.memory_space<semaphore_mem>>
    %dma_start3A_135 = tpu.memref_squeeze %dma_start3A_134 : memref<1x!tpu.dma_semaphore, #tpu.memory_space<semaphore_mem>> -> memref<!tpu.dma_semaphore, #tpu.memory_space<semaphore_mem>>
    %dma_start3A_136 = arith.constant 0 : i32
    %dma_start3A_137 = arith.constant 0 : i32
    %dma_start3A_138 = tpu.memref_slice %arg6[%dma_start3A_126, %dma_start3A_136, %dma_start3A_137] : memref<8x32x128xf32, #tpu.memory_space<vmem>> -> memref<1x32x128xf32, #tpu.memory_space<vmem>>
    %dma_start3A_139 = tpu.memref_squeeze %dma_start3A_138 : memref<1x32x128xf32, #tpu.memory_space<vmem>> -> memref<32x128xf32, #tpu.memory_space<vmem>>
    %dma_start3A_140 = arith.constant 0 : i32
    %dma_start3A_141 = tpu.memref_slice %arg3[%dma_start3A_140, %multiple_of3A_125] : memref<32x1000000xf32, #tpu.memory_space<hbm>> -> memref<32x128xf32, #tpu.memory_space<hbm>>
    tpu.enqueue_dma source(%dma_start3A_141 : memref<32x128xf32, #tpu.memory_space<hbm>>) target(%dma_start3A_139 : memref<32x128xf32, #tpu.memory_space<vmem>>) target_semaphore(%dma_start3A_135 : memref<!tpu.dma_semaphore, #tpu.memory_space<semaphore_mem>>)
    %slice3A_142 = vector.extract_strided_slice %get3A_8 {offsets = [6], sizes = [1], strides = [1]} : vector<16xi32> to vector<1xi32>
    %squeeze3A_143 = vector.extract %slice3A_142[0] : i32 from vector<1xi32>
    %shift_right_arithmetic3A_144 = arith.constant 7 : i32
    %shift_right_arithmetic3A_145 = arith.shrsi %squeeze3A_143, %shift_right_arithmetic3A_144 : i32
    %mul3A_146 = arith.constant 128 : i32
    %mul3A_147 = arith.muli %shift_right_arithmetic3A_145, %mul3A_146 : i32
    %multiple_of3A_148 = tpu.assume_multiple %mul3A_147, 128 : i32
    %dma_start3A_149 = arith.constant 6 : i32
    %dma_start3A_150 = arith.constant 6 : i32
    %dma_start3A_151 = arith.constant 0 : i32
    %dma_start3A_152 = arith.constant 0 : i32
    %dma_start3A_153 = tpu.memref_slice %arg6[%dma_start3A_149, %dma_start3A_151, %dma_start3A_152] : memref<8x32x128xf32, #tpu.memory_space<vmem>> -> memref<1x32x128xf32, #tpu.memory_space<vmem>>
    %dma_start3A_154 = tpu.memref_squeeze %dma_start3A_153 : memref<1x32x128xf32, #tpu.memory_space<vmem>> -> memref<32x128xf32, #tpu.memory_space<vmem>>
    %dma_start3A_155 = arith.constant 0 : i32
    %dma_start3A_156 = tpu.memref_slice %arg3[%dma_start3A_155, %multiple_of3A_148] : memref<32x1000000xf32, #tpu.memory_space<hbm>> -> memref<32x128xf32, #tpu.memory_space<hbm>>
    %dma_start3A_157 = tpu.memref_slice %arg8[%dma_start3A_150] : memref<8x!tpu.dma_semaphore, #tpu.memory_space<semaphore_mem>> -> memref<1x!tpu.dma_semaphore, #tpu.memory_space<semaphore_mem>>
    %dma_start3A_158 = tpu.memref_squeeze %dma_start3A_157 : memref<1x!tpu.dma_semaphore, #tpu.memory_space<semaphore_mem>> -> memref<!tpu.dma_semaphore, #tpu.memory_space<semaphore_mem>>
    %dma_start3A_159 = arith.constant 0 : i32
    %dma_start3A_160 = arith.constant 0 : i32
    %dma_start3A_161 = tpu.memref_slice %arg6[%dma_start3A_149, %dma_start3A_159, %dma_start3A_160] : memref<8x32x128xf32, #tpu.memory_space<vmem>> -> memref<1x32x128xf32, #tpu.memory_space<vmem>>
    %dma_start3A_162 = tpu.memref_squeeze %dma_start3A_161 : memref<1x32x128xf32, #tpu.memory_space<vmem>> -> memref<32x128xf32, #tpu.memory_space<vmem>>
    %dma_start3A_163 = arith.constant 0 : i32
    %dma_start3A_164 = tpu.memref_slice %arg3[%dma_start3A_163, %multiple_of3A_148] : memref<32x1000000xf32, #tpu.memory_space<hbm>> -> memref<32x128xf32, #tpu.memory_space<hbm>>
    tpu.enqueue_dma source(%dma_start3A_164 : memref<32x128xf32, #tpu.memory_space<hbm>>) target(%dma_start3A_162 : memref<32x128xf32, #tpu.memory_space<vmem>>) target_semaphore(%dma_start3A_158 : memref<!tpu.dma_semaphore, #tpu.memory_space<semaphore_mem>>)
    %slice3A_165 = vector.extract_strided_slice %get3A_8 {offsets = [7], sizes = [1], strides = [1]} : vector<16xi32> to vector<1xi32>
    %squeeze3A_166 = vector.extract %slice3A_165[0] : i32 from vector<1xi32>
    %shift_right_arithmetic3A_167 = arith.constant 7 : i32
    %shift_right_arithmetic3A_168 = arith.shrsi %squeeze3A_166, %shift_right_arithmetic3A_167 : i32
    %mul3A_169 = arith.constant 128 : i32
    %mul3A_170 = arith.muli %shift_right_arithmetic3A_168, %mul3A_169 : i32
    %multiple_of3A_171 = tpu.assume_multiple %mul3A_170, 128 : i32
    %dma_start3A_172 = arith.constant 7 : i32
    %dma_start3A_173 = arith.constant 7 : i32
    %dma_start3A_174 = arith.constant 0 : i32
    %dma_start3A_175 = arith.constant 0 : i32
    %dma_start3A_176 = tpu.memref_slice %arg6[%dma_start3A_172, %dma_start3A_174, %dma_start3A_175] : memref<8x32x128xf32, #tpu.memory_space<vmem>> -> memref<1x32x128xf32, #tpu.memory_space<vmem>>
    %dma_start3A_177 = tpu.memref_squeeze %dma_start3A_176 : memref<1x32x128xf32, #tpu.memory_space<vmem>> -> memref<32x128xf32, #tpu.memory_space<vmem>>
    %dma_start3A_178 = arith.constant 0 : i32
    %dma_start3A_179 = tpu.memref_slice %arg3[%dma_start3A_178, %multiple_of3A_171] : memref<32x1000000xf32, #tpu.memory_space<hbm>> -> memref<32x128xf32, #tpu.memory_space<hbm>>
    %dma_start3A_180 = tpu.memref_slice %arg8[%dma_start3A_173] : memref<8x!tpu.dma_semaphore, #tpu.memory_space<semaphore_mem>> -> memref<1x!tpu.dma_semaphore, #tpu.memory_space<semaphore_mem>>
    %dma_start3A_181 = tpu.memref_squeeze %dma_start3A_180 : memref<1x!tpu.dma_semaphore, #tpu.memory_space<semaphore_mem>> -> memref<!tpu.dma_semaphore, #tpu.memory_space<semaphore_mem>>
    %dma_start3A_182 = arith.constant 0 : i32
    %dma_start3A_183 = arith.constant 0 : i32
    %dma_start3A_184 = tpu.memref_slice %arg6[%dma_start3A_172, %dma_start3A_182, %dma_start3A_183] : memref<8x32x128xf32, #tpu.memory_space<vmem>> -> memref<1x32x128xf32, #tpu.memory_space<vmem>>
    %dma_start3A_185 = tpu.memref_squeeze %dma_start3A_184 : memref<1x32x128xf32, #tpu.memory_space<vmem>> -> memref<32x128xf32, #tpu.memory_space<vmem>>
    %dma_start3A_186 = arith.constant 0 : i32
    %dma_start3A_187 = tpu.memref_slice %arg3[%dma_start3A_186, %multiple_of3A_171] : memref<32x1000000xf32, #tpu.memory_space<hbm>> -> memref<32x128xf32, #tpu.memory_space<hbm>>
    tpu.enqueue_dma source(%dma_start3A_187 : memref<32x128xf32, #tpu.memory_space<hbm>>) target(%dma_start3A_185 : memref<32x128xf32, #tpu.memory_space<vmem>>) target_semaphore(%dma_start3A_181 : memref<!tpu.dma_semaphore, #tpu.memory_space<semaphore_mem>>)
    %scan3A = arith.constant 0 : i32
    %scan3A_188 = arith.constant 0 : i32
    %scan3A_189 = arith.constant 32 : i32
    %scan3A_190 = arith.addi %scan3A_188, %scan3A_189 : i32
    %scan3A_191 = arith.constant 1 : i32
    scf.for %scan3A_193 = %scan3A_188 to %scan3A_190 step %scan3A_191  : i32 {
      %mul3A_194 = arith.constant 16 : i32
      %mul3A_195 = arith.muli %scan3A_193, %mul3A_194 : i32
      %get3A_196 = arith.constant 1 : i32
      %get3A_197 = arith.index_cast %get3A_196 : i32 to index
      %get3A_198 = arith.index_cast %mul3A_195 : i32 to index
      %get3A_199 = tpu.vector_load %arg5[%get3A_197, %get3A_198] {strides = array<i32>} : memref<2x512xi32, #tpu.memory_space<vmem>>, vector<16xi32>,
      %add3A_200 = arith.constant 1 : i32
      %add3A_201 = arith.addi %scan3A_193, %add3A_200 : i32
      %jit3A = arith.constant 32 : i32
      %eq3A = arith.constant 0 : i32
      %eq3A_202 = arith.cmpi eq, %jit3A, %eq3A : i32
      %jit3A_203 = arith.constant 1 : i32
      %select_n3A = arith.select %eq3A_202, %jit3A_203, %jit3A : i32
      %rem3A = arith.remsi %add3A_201, %select_n3A : i32
      %ne3A = arith.constant 0 : i32
      %ne3A_204 = arith.cmpi ne, %rem3A, %ne3A : i32
      %lt3A = arith.constant 0 : i32
      %lt3A_205 = arith.cmpi slt, %rem3A, %lt3A : i32
      %lt3A_206 = arith.constant 0 : i32
      %lt3A_207 = arith.cmpi slt, %select_n3A, %lt3A_206 : i32
      %ne3A_208 = arith.xori %lt3A_205, %lt3A_207 : i1
      %and3A = arith.andi %ne3A_208, %ne3A_204 : i1
      %add3A_209 = arith.addi %rem3A, %select_n3A : i32
      %select_n3A_210 = arith.select %and3A, %add3A_209, %rem3A : i32
      %mul3A_211 = arith.constant 16 : i32
      %mul3A_212 = arith.muli %select_n3A_210, %mul3A_211 : i32
      %get3A_213 = arith.constant 1 : i32
      %get3A_214 = arith.index_cast %get3A_213 : i32 to index
      %get3A_215 = arith.index_cast %mul3A_212 : i32 to index
      %get3A_216 = tpu.vector_load %arg5[%get3A_214, %get3A_215] {strides = array<i32>} : memref<2x512xi32, #tpu.memory_space<vmem>>, vector<16xi32>,
      %eq3A_217 = arith.constant 31 : i32
      %eq3A_218 = arith.cmpi eq, %scan3A_193, %eq3A_217 : i32
      %dma_wait3A = arith.constant 0 : i32
      %dma_wait3A_219 = arith.constant 0 : i32
      %dma_wait3A_220 = arith.constant 0 : i32
      %dma_wait3A_221 = arith.constant 0 : i32
      %dma_wait3A_222 = tpu.memref_slice %arg6[%dma_wait3A, %dma_wait3A_220, %dma_wait3A_221] : memref<8x32x128xf32, #tpu.memory_space<vmem>> -> memref<1x32x128xf32, #tpu.memory_space<vmem>>
      %dma_wait3A_223 = tpu.memref_squeeze %dma_wait3A_222 : memref<1x32x128xf32, #tpu.memory_space<vmem>> -> memref<32x128xf32, #tpu.memory_space<vmem>>
      %dma_wait3A_224 = arith.constant 0 : i32
      %dma_wait3A_225 = arith.constant 0 : i32
      %dma_wait3A_226 = tpu.memref_slice %arg3[%dma_wait3A_224, %dma_wait3A_225] : memref<32x1000000xf32, #tpu.memory_space<hbm>> -> memref<32x128xf32, #tpu.memory_space<hbm>>
      %dma_wait3A_227 = tpu.memref_slice %arg8[%dma_wait3A_219] : memref<8x!tpu.dma_semaphore, #tpu.memory_space<semaphore_mem>> -> memref<1x!tpu.dma_semaphore, #tpu.memory_space<semaphore_mem>>
      %dma_wait3A_228 = tpu.memref_squeeze %dma_wait3A_227 : memref<1x!tpu.dma_semaphore, #tpu.memory_space<semaphore_mem>> -> memref<!tpu.dma_semaphore, #tpu.memory_space<semaphore_mem>>
      %dma_wait3A_229 = arith.constant 0 : i32
      %dma_wait3A_230 = arith.constant 0 : i32
      %dma_wait3A_231 = tpu.memref_slice %arg6[%dma_wait3A, %dma_wait3A_229, %dma_wait3A_230] : memref<8x32x128xf32, #tpu.memory_space<vmem>> -> memref<1x32x128xf32, #tpu.memory_space<vmem>>
      %dma_wait3A_232 = tpu.memref_squeeze %dma_wait3A_231 : memref<1x32x128xf32, #tpu.memory_space<vmem>> -> memref<32x128xf32, #tpu.memory_space<vmem>>
      %dma_wait3A_233 = arith.constant 0 : i32
      %dma_wait3A_234 = arith.constant 0 : i32
      %dma_wait3A_235 = tpu.memref_slice %arg3[%dma_wait3A_233, %dma_wait3A_234] : memref<32x1000000xf32, #tpu.memory_space<hbm>> -> memref<32x128xf32, #tpu.memory_space<hbm>>
      tpu.wait_dma2 semaphore(%dma_wait3A_228 : memref<!tpu.dma_semaphore, #tpu.memory_space<semaphore_mem>>) src(%dma_wait3A_235 : memref<32x128xf32, #tpu.memory_space<hbm>>) dst(%dma_wait3A_232 : memref<32x128xf32, #tpu.memory_space<vmem>>)
      %slice3A_236 = vector.extract_strided_slice %get3A_199 {offsets = [0], sizes = [1], strides = [1]} : vector<16xi32> to vector<1xi32>
      %squeeze3A_237 = vector.extract %slice3A_236[0] : i32 from vector<1xi32>
      %and3A_238 = arith.constant 127 : i32
      %and3A_239 = arith.andi %squeeze3A_237, %and3A_238 : i32
      %broadcast_in_dim3A = vector.broadcast %and3A_239 : i32 to vector<16xi32>
      %gather3A = arith.constant 0 : i32
      %gather3A_240 = arith.constant 0 : i32
      %gather3A_241 = arith.constant 0 : i32
      %gather3A_242 = tpu.memref_slice %arg6[%gather3A, %gather3A_240, %gather3A_241] : memref<8x32x128xf32, #tpu.memory_space<vmem>> -> memref<1x32x128xf32, #tpu.memory_space<vmem>>
      %gather3A_243 = tpu.memref_squeeze %gather3A_242 : memref<1x32x128xf32, #tpu.memory_space<vmem>> -> memref<32x128xf32, #tpu.memory_space<vmem>>
      %gather3A_244 = tpu.vector_load_idx %gather3A_243[%iota3A, %broadcast_in_dim3A] : memref<32x128xf32, #tpu.memory_space<vmem>>[vector<16xi32>, vector<16xi32>], vector<16xf32>,
      %gather3A_245 = arith.constant 0 : i32
      %gather3A_246 = arith.constant 0 : i32
      %gather3A_247 = arith.constant 0 : i32
      %gather3A_248 = tpu.memref_slice %arg6[%gather3A_245, %gather3A_246, %gather3A_247] : memref<8x32x128xf32, #tpu.memory_space<vmem>> -> memref<1x32x128xf32, #tpu.memory_space<vmem>>
      %gather3A_249 = tpu.memref_squeeze %gather3A_248 : memref<1x32x128xf32, #tpu.memory_space<vmem>> -> memref<32x128xf32, #tpu.memory_space<vmem>>
      %gather3A_250 = tpu.vector_load_idx %gather3A_249[%add3A_5, %broadcast_in_dim3A] : memref<32x128xf32, #tpu.memory_space<vmem>>[vector<16xi32>, vector<16xi32>], vector<16xf32>,
      %mul3A_251 = arith.constant 16 : i32
      %mul3A_252 = arith.muli %scan3A_193, %mul3A_251 : i32
      %add3A_253 = arith.constant 0 : i32
      %add3A_254 = arith.addi %mul3A_252, %add3A_253 : i32
      %swap3A = arith.index_cast %add3A_254 : i32 to index
      %swap3A_255 = arith.constant 0 : index
      %swap3A_256 = tpu.vector_load %arg7[%swap3A, %swap3A_255] {strides = array<i32>} : memref<512x32xf32, #tpu.memory_space<vmem>>, vector<16xf32>,
      tpu.vector_store %arg7[%swap3A, %swap3A_255], %gather3A_244 {strides = array<i32>} : memref<512x32xf32, #tpu.memory_space<vmem>>, vector<16xf32>,
      %swap3A_257 = arith.index_cast %add3A_254 : i32 to index
      %swap3A_258 = arith.constant 16 : index
      %swap3A_259 = tpu.vector_load %arg7[%swap3A_257, %swap3A_258] {strides = array<i32>} : memref<512x32xf32, #tpu.memory_space<vmem>>, vector<16xf32>,
      tpu.vector_store %arg7[%swap3A_257, %swap3A_258], %gather3A_250 {strides = array<i32>} : memref<512x32xf32, #tpu.memory_space<vmem>>, vector<16xf32>,
      %slice3A_260 = vector.extract_strided_slice %get3A_199 {offsets = [8], sizes = [1], strides = [1]} : vector<16xi32> to vector<1xi32>
      %squeeze3A_261 = vector.extract %slice3A_260[0] : i32 from vector<1xi32>
      %shift_right_arithmetic3A_262 = arith.constant 7 : i32
      %shift_right_arithmetic3A_263 = arith.shrsi %squeeze3A_261, %shift_right_arithmetic3A_262 : i32
      %mul3A_264 = arith.constant 128 : i32
      %mul3A_265 = arith.muli %shift_right_arithmetic3A_263, %mul3A_264 : i32
      %multiple_of3A_266 = tpu.assume_multiple %mul3A_265, 128 : i32
      %dma_start3A_267 = arith.constant 0 : i32
      %dma_start3A_268 = arith.constant 0 : i32
      %dma_start3A_269 = arith.constant 0 : i32
      %dma_start3A_270 = arith.constant 0 : i32
      %dma_start3A_271 = tpu.memref_slice %arg6[%dma_start3A_267, %dma_start3A_269, %dma_start3A_270] : memref<8x32x128xf32, #tpu.memory_space<vmem>> -> memref<1x32x128xf32, #tpu.memory_space<vmem>>
      %dma_start3A_272 = tpu.memref_squeeze %dma_start3A_271 : memref<1x32x128xf32, #tpu.memory_space<vmem>> -> memref<32x128xf32, #tpu.memory_space<vmem>>
      %dma_start3A_273 = arith.constant 0 : i32
      %dma_start3A_274 = tpu.memref_slice %arg3[%dma_start3A_273, %multiple_of3A_266] : memref<32x1000000xf32, #tpu.memory_space<hbm>> -> memref<32x128xf32, #tpu.memory_space<hbm>>
      %dma_start3A_275 = tpu.memref_slice %arg8[%dma_start3A_268] : memref<8x!tpu.dma_semaphore, #tpu.memory_space<semaphore_mem>> -> memref<1x!tpu.dma_semaphore, #tpu.memory_space<semaphore_mem>>
      %dma_start3A_276 = tpu.memref_squeeze %dma_start3A_275 : memref<1x!tpu.dma_semaphore, #tpu.memory_space<semaphore_mem>> -> memref<!tpu.dma_semaphore, #tpu.memory_space<semaphore_mem>>
      %dma_start3A_277 = arith.constant 0 : i32
      %dma_start3A_278 = arith.constant 0 : i32
      %dma_start3A_279 = tpu.memref_slice %arg6[%dma_start3A_267, %dma_start3A_277, %dma_start3A_278] : memref<8x32x128xf32, #tpu.memory_space<vmem>> -> memref<1x32x128xf32, #tpu.memory_space<vmem>>
      %dma_start3A_280 = tpu.memref_squeeze %dma_start3A_279 : memref<1x32x128xf32, #tpu.memory_space<vmem>> -> memref<32x128xf32, #tpu.memory_space<vmem>>
      %dma_start3A_281 = arith.constant 0 : i32
      %dma_start3A_282 = tpu.memref_slice %arg3[%dma_start3A_281, %multiple_of3A_266] : memref<32x1000000xf32, #tpu.memory_space<hbm>> -> memref<32x128xf32, #tpu.memory_space<hbm>>
      tpu.enqueue_dma source(%dma_start3A_282 : memref<32x128xf32, #tpu.memory_space<hbm>>) target(%dma_start3A_280 : memref<32x128xf32, #tpu.memory_space<vmem>>) target_semaphore(%dma_start3A_276 : memref<!tpu.dma_semaphore, #tpu.memory_space<semaphore_mem>>)
      %dma_wait3A_283 = arith.constant 1 : i32
      %dma_wait3A_284 = arith.constant 1 : i32
      %dma_wait3A_285 = arith.constant 0 : i32
      %dma_wait3A_286 = arith.constant 0 : i32
      %dma_wait3A_287 = tpu.memref_slice %arg6[%dma_wait3A_283, %dma_wait3A_285, %dma_wait3A_286] : memref<8x32x128xf32, #tpu.memory_space<vmem>> -> memref<1x32x128xf32, #tpu.memory_space<vmem>>
      %dma_wait3A_288 = tpu.memref_squeeze %dma_wait3A_287 : memref<1x32x128xf32, #tpu.memory_space<vmem>> -> memref<32x128xf32, #tpu.memory_space<vmem>>
      %dma_wait3A_289 = arith.constant 0 : i32
      %dma_wait3A_290 = arith.constant 0 : i32
      %dma_wait3A_291 = tpu.memref_slice %arg3[%dma_wait3A_289, %dma_wait3A_290] : memref<32x1000000xf32, #tpu.memory_space<hbm>> -> memref<32x128xf32, #tpu.memory_space<hbm>>
      %dma_wait3A_292 = tpu.memref_slice %arg8[%dma_wait3A_284] : memref<8x!tpu.dma_semaphore, #tpu.memory_space<semaphore_mem>> -> memref<1x!tpu.dma_semaphore, #tpu.memory_space<semaphore_mem>>
      %dma_wait3A_293 = tpu.memref_squeeze %dma_wait3A_292 : memref<1x!tpu.dma_semaphore, #tpu.memory_space<semaphore_mem>> -> memref<!tpu.dma_semaphore, #tpu.memory_space<semaphore_mem>>
      %dma_wait3A_294 = arith.constant 0 : i32
      %dma_wait3A_295 = arith.constant 0 : i32
      %dma_wait3A_296 = tpu.memref_slice %arg6[%dma_wait3A_283, %dma_wait3A_294, %dma_wait3A_295] : memref<8x32x128xf32, #tpu.memory_space<vmem>> -> memref<1x32x128xf32, #tpu.memory_space<vmem>>
      %dma_wait3A_297 = tpu.memref_squeeze %dma_wait3A_296 : memref<1x32x128xf32, #tpu.memory_space<vmem>> -> memref<32x128xf32, #tpu.memory_space<vmem>>
      %dma_wait3A_298 = arith.constant 0 : i32
      %dma_wait3A_299 = arith.constant 0 : i32
      %dma_wait3A_300 = tpu.memref_slice %arg3[%dma_wait3A_298, %dma_wait3A_299] : memref<32x1000000xf32, #tpu.memory_space<hbm>> -> memref<32x128xf32, #tpu.memory_space<hbm>>
      tpu.wait_dma2 semaphore(%dma_wait3A_293 : memref<!tpu.dma_semaphore, #tpu.memory_space<semaphore_mem>>) src(%dma_wait3A_300 : memref<32x128xf32, #tpu.memory_space<hbm>>) dst(%dma_wait3A_297 : memref<32x128xf32, #tpu.memory_space<vmem>>)
      %slice3A_301 = vector.extract_strided_slice %get3A_199 {offsets = [1], sizes = [1], strides = [1]} : vector<16xi32> to vector<1xi32>
      %squeeze3A_302 = vector.extract %slice3A_301[0] : i32 from vector<1xi32>
      %and3A_303 = arith.constant 127 : i32
      %and3A_304 = arith.andi %squeeze3A_302, %and3A_303 : i32
      %broadcast_in_dim3A_305 = vector.broadcast %and3A_304 : i32 to vector<16xi32>
      %gather3A_306 = arith.constant 1 : i32
      %gather3A_307 = arith.constant 0 : i32
      %gather3A_308 = arith.constant 0 : i32
      %gather3A_309 = tpu.memref_slice %arg6[%gather3A_306, %gather3A_307, %gather3A_308] : memref<8x32x128xf32, #tpu.memory_space<vmem>> -> memref<1x32x128xf32, #tpu.memory_space<vmem>>
      %gather3A_310 = tpu.memref_squeeze %gather3A_309 : memref<1x32x128xf32, #tpu.memory_space<vmem>> -> memref<32x128xf32, #tpu.memory_space<vmem>>
      %gather3A_311 = tpu.vector_load_idx %gather3A_310[%iota3A, %broadcast_in_dim3A_305] : memref<32x128xf32, #tpu.memory_space<vmem>>[vector<16xi32>, vector<16xi32>], vector<16xf32>,
      %gather3A_312 = arith.constant 1 : i32
      %gather3A_313 = arith.constant 0 : i32
      %gather3A_314 = arith.constant 0 : i32
      %gather3A_315 = tpu.memref_slice %arg6[%gather3A_312, %gather3A_313, %gather3A_314] : memref<8x32x128xf32, #tpu.memory_space<vmem>> -> memref<1x32x128xf32, #tpu.memory_space<vmem>>
      %gather3A_316 = tpu.memref_squeeze %gather3A_315 : memref<1x32x128xf32, #tpu.memory_space<vmem>> -> memref<32x128xf32, #tpu.memory_space<vmem>>
      %gather3A_317 = tpu.vector_load_idx %gather3A_316[%add3A_5, %broadcast_in_dim3A_305] : memref<32x128xf32, #tpu.memory_space<vmem>>[vector<16xi32>, vector<16xi32>], vector<16xf32>,
      %mul3A_318 = arith.constant 16 : i32
      %mul3A_319 = arith.muli %scan3A_193, %mul3A_318 : i32
      %add3A_320 = arith.constant 1 : i32
      %add3A_321 = arith.addi %mul3A_319, %add3A_320 : i32
      %swap3A_322 = arith.index_cast %add3A_321 : i32 to index
      %swap3A_323 = arith.constant 0 : index
      %swap3A_324 = tpu.vector_load %arg7[%swap3A_322, %swap3A_323] {strides = array<i32>} : memref<512x32xf32, #tpu.memory_space<vmem>>, vector<16xf32>,
      tpu.vector_store %arg7[%swap3A_322, %swap3A_323], %gather3A_311 {strides = array<i32>} : memref<512x32xf32, #tpu.memory_space<vmem>>, vector<16xf32>,
      %swap3A_325 = arith.index_cast %add3A_321 : i32 to index
      %swap3A_326 = arith.constant 16 : index
      %swap3A_327 = tpu.vector_load %arg7[%swap3A_325, %swap3A_326] {strides = array<i32>} : memref<512x32xf32, #tpu.memory_space<vmem>>, vector<16xf32>,
      tpu.vector_store %arg7[%swap3A_325, %swap3A_326], %gather3A_317 {strides = array<i32>} : memref<512x32xf32, #tpu.memory_space<vmem>>, vector<16xf32>,
      %slice3A_328 = vector.extract_strided_slice %get3A_199 {offsets = [9], sizes = [1], strides = [1]} : vector<16xi32> to vector<1xi32>
      %squeeze3A_329 = vector.extract %slice3A_328[0] : i32 from vector<1xi32>
      %shift_right_arithmetic3A_330 = arith.constant 7 : i32
      %shift_right_arithmetic3A_331 = arith.shrsi %squeeze3A_329, %shift_right_arithmetic3A_330 : i32
      %mul3A_332 = arith.constant 128 : i32
      %mul3A_333 = arith.muli %shift_right_arithmetic3A_331, %mul3A_332 : i32
      %multiple_of3A_334 = tpu.assume_multiple %mul3A_333, 128 : i32
      %dma_start3A_335 = arith.constant 1 : i32
      %dma_start3A_336 = arith.constant 1 : i32
      %dma_start3A_337 = arith.constant 0 : i32
      %dma_start3A_338 = arith.constant 0 : i32
      %dma_start3A_339 = tpu.memref_slice %arg6[%dma_start3A_335, %dma_start3A_337, %dma_start3A_338] : memref<8x32x128xf32, #tpu.memory_space<vmem>> -> memref<1x32x128xf32, #tpu.memory_space<vmem>>
      %dma_start3A_340 = tpu.memref_squeeze %dma_start3A_339 : memref<1x32x128xf32, #tpu.memory_space<vmem>> -> memref<32x128xf32, #tpu.memory_space<vmem>>
      %dma_start3A_341 = arith.constant 0 : i32
      %dma_start3A_342 = tpu.memref_slice %arg3[%dma_start3A_341, %multiple_of3A_334] : memref<32x1000000xf32, #tpu.memory_space<hbm>> -> memref<32x128xf32, #tpu.memory_space<hbm>>
      %dma_start3A_343 = tpu.memref_slice %arg8[%dma_start3A_336] : memref<8x!tpu.dma_semaphore, #tpu.memory_space<semaphore_mem>> -> memref<1x!tpu.dma_semaphore, #tpu.memory_space<semaphore_mem>>
      %dma_start3A_344 = tpu.memref_squeeze %dma_start3A_343 : memref<1x!tpu.dma_semaphore, #tpu.memory_space<semaphore_mem>> -> memref<!tpu.dma_semaphore, #tpu.memory_space<semaphore_mem>>
      %dma_start3A_345 = arith.constant 0 : i32
      %dma_start3A_346 = arith.constant 0 : i32
      %dma_start3A_347 = tpu.memref_slice %arg6[%dma_start3A_335, %dma_start3A_345, %dma_start3A_346] : memref<8x32x128xf32, #tpu.memory_space<vmem>> -> memref<1x32x128xf32, #tpu.memory_space<vmem>>
      %dma_start3A_348 = tpu.memref_squeeze %dma_start3A_347 : memref<1x32x128xf32, #tpu.memory_space<vmem>> -> memref<32x128xf32, #tpu.memory_space<vmem>>
      %dma_start3A_349 = arith.constant 0 : i32
      %dma_start3A_350 = tpu.memref_slice %arg3[%dma_start3A_349, %multiple_of3A_334] : memref<32x1000000xf32, #tpu.memory_space<hbm>> -> memref<32x128xf32, #tpu.memory_space<hbm>>
      tpu.enqueue_dma source(%dma_start3A_350 : memref<32x128xf32, #tpu.memory_space<hbm>>) target(%dma_start3A_348 : memref<32x128xf32, #tpu.memory_space<vmem>>) target_semaphore(%dma_start3A_344 : memref<!tpu.dma_semaphore, #tpu.memory_space<semaphore_mem>>)
      %dma_wait3A_351 = arith.constant 2 : i32
      %dma_wait3A_352 = arith.constant 2 : i32
      %dma_wait3A_353 = arith.constant 0 : i32
      %dma_wait3A_354 = arith.constant 0 : i32
      %dma_wait3A_355 = tpu.memref_slice %arg6[%dma_wait3A_351, %dma_wait3A_353, %dma_wait3A_354] : memref<8x32x128xf32, #tpu.memory_space<vmem>> -> memref<1x32x128xf32, #tpu.memory_space<vmem>>
      %dma_wait3A_356 = tpu.memref_squeeze %dma_wait3A_355 : memref<1x32x128xf32, #tpu.memory_space<vmem>> -> memref<32x128xf32, #tpu.memory_space<vmem>>
      %dma_wait3A_357 = arith.constant 0 : i32
      %dma_wait3A_358 = arith.constant 0 : i32
      %dma_wait3A_359 = tpu.memref_slice %arg3[%dma_wait3A_357, %dma_wait3A_358] : memref<32x1000000xf32, #tpu.memory_space<hbm>> -> memref<32x128xf32, #tpu.memory_space<hbm>>
      %dma_wait3A_360 = tpu.memref_slice %arg8[%dma_wait3A_352] : memref<8x!tpu.dma_semaphore, #tpu.memory_space<semaphore_mem>> -> memref<1x!tpu.dma_semaphore, #tpu.memory_space<semaphore_mem>>
      %dma_wait3A_361 = tpu.memref_squeeze %dma_wait3A_360 : memref<1x!tpu.dma_semaphore, #tpu.memory_space<semaphore_mem>> -> memref<!tpu.dma_semaphore, #tpu.memory_space<semaphore_mem>>
      %dma_wait3A_362 = arith.constant 0 : i32
      %dma_wait3A_363 = arith.constant 0 : i32
      %dma_wait3A_364 = tpu.memref_slice %arg6[%dma_wait3A_351, %dma_wait3A_362, %dma_wait3A_363] : memref<8x32x128xf32, #tpu.memory_space<vmem>> -> memref<1x32x128xf32, #tpu.memory_space<vmem>>
      %dma_wait3A_365 = tpu.memref_squeeze %dma_wait3A_364 : memref<1x32x128xf32, #tpu.memory_space<vmem>> -> memref<32x128xf32, #tpu.memory_space<vmem>>
      %dma_wait3A_366 = arith.constant 0 : i32
      %dma_wait3A_367 = arith.constant 0 : i32
      %dma_wait3A_368 = tpu.memref_slice %arg3[%dma_wait3A_366, %dma_wait3A_367] : memref<32x1000000xf32, #tpu.memory_space<hbm>> -> memref<32x128xf32, #tpu.memory_space<hbm>>
      tpu.wait_dma2 semaphore(%dma_wait3A_361 : memref<!tpu.dma_semaphore, #tpu.memory_space<semaphore_mem>>) src(%dma_wait3A_368 : memref<32x128xf32, #tpu.memory_space<hbm>>) dst(%dma_wait3A_365 : memref<32x128xf32, #tpu.memory_space<vmem>>)
      %slice3A_369 = vector.extract_strided_slice %get3A_199 {offsets = [2], sizes = [1], strides = [1]} : vector<16xi32> to vector<1xi32>
      %squeeze3A_370 = vector.extract %slice3A_369[0] : i32 from vector<1xi32>
      %and3A_371 = arith.constant 127 : i32
      %and3A_372 = arith.andi %squeeze3A_370, %and3A_371 : i32
      %broadcast_in_dim3A_373 = vector.broadcast %and3A_372 : i32 to vector<16xi32>
      %gather3A_374 = arith.constant 2 : i32
      %gather3A_375 = arith.constant 0 : i32
      %gather3A_376 = arith.constant 0 : i32
      %gather3A_377 = tpu.memref_slice %arg6[%gather3A_374, %gather3A_375, %gather3A_376] : memref<8x32x128xf32, #tpu.memory_space<vmem>> -> memref<1x32x128xf32, #tpu.memory_space<vmem>>
      %gather3A_378 = tpu.memref_squeeze %gather3A_377 : memref<1x32x128xf32, #tpu.memory_space<vmem>> -> memref<32x128xf32, #tpu.memory_space<vmem>>
      %gather3A_379 = tpu.vector_load_idx %gather3A_378[%iota3A, %broadcast_in_dim3A_373] : memref<32x128xf32, #tpu.memory_space<vmem>>[vector<16xi32>, vector<16xi32>], vector<16xf32>,
      %gather3A_380 = arith.constant 2 : i32
      %gather3A_381 = arith.constant 0 : i32
      %gather3A_382 = arith.constant 0 : i32
      %gather3A_383 = tpu.memref_slice %arg6[%gather3A_380, %gather3A_381, %gather3A_382] : memref<8x32x128xf32, #tpu.memory_space<vmem>> -> memref<1x32x128xf32, #tpu.memory_space<vmem>>
      %gather3A_384 = tpu.memref_squeeze %gather3A_383 : memref<1x32x128xf32, #tpu.memory_space<vmem>> -> memref<32x128xf32, #tpu.memory_space<vmem>>
      %gather3A_385 = tpu.vector_load_idx %gather3A_384[%add3A_5, %broadcast_in_dim3A_373] : memref<32x128xf32, #tpu.memory_space<vmem>>[vector<16xi32>, vector<16xi32>], vector<16xf32>,
      %mul3A_386 = arith.constant 16 : i32
      %mul3A_387 = arith.muli %scan3A_193, %mul3A_386 : i32
      %add3A_388 = arith.constant 2 : i32
      %add3A_389 = arith.addi %mul3A_387, %add3A_388 : i32
      %swap3A_390 = arith.index_cast %add3A_389 : i32 to index
      %swap3A_391 = arith.constant 0 : index
      %swap3A_392 = tpu.vector_load %arg7[%swap3A_390, %swap3A_391] {strides = array<i32>} : memref<512x32xf32, #tpu.memory_space<vmem>>, vector<16xf32>,
      tpu.vector_store %arg7[%swap3A_390, %swap3A_391], %gather3A_379 {strides = array<i32>} : memref<512x32xf32, #tpu.memory_space<vmem>>, vector<16xf32>,
      %swap3A_393 = arith.index_cast %add3A_389 : i32 to index
      %swap3A_394 = arith.constant 16 : index
      %swap3A_395 = tpu.vector_load %arg7[%swap3A_393, %swap3A_394] {strides = array<i32>} : memref<512x32xf32, #tpu.memory_space<vmem>>, vector<16xf32>,
      tpu.vector_store %arg7[%swap3A_393, %swap3A_394], %gather3A_385 {strides = array<i32>} : memref<512x32xf32, #tpu.memory_space<vmem>>, vector<16xf32>,
      %slice3A_396 = vector.extract_strided_slice %get3A_199 {offsets = [10], sizes = [1], strides = [1]} : vector<16xi32> to vector<1xi32>
      %squeeze3A_397 = vector.extract %slice3A_396[0] : i32 from vector<1xi32>
      %shift_right_arithmetic3A_398 = arith.constant 7 : i32
      %shift_right_arithmetic3A_399 = arith.shrsi %squeeze3A_397, %shift_right_arithmetic3A_398 : i32
      %mul3A_400 = arith.constant 128 : i32
      %mul3A_401 = arith.muli %shift_right_arithmetic3A_399, %mul3A_400 : i32
      %multiple_of3A_402 = tpu.assume_multiple %mul3A_401, 128 : i32
      %dma_start3A_403 = arith.constant 2 : i32
      %dma_start3A_404 = arith.constant 2 : i32
      %dma_start3A_405 = arith.constant 0 : i32
      %dma_start3A_406 = arith.constant 0 : i32
      %dma_start3A_407 = tpu.memref_slice %arg6[%dma_start3A_403, %dma_start3A_405, %dma_start3A_406] : memref<8x32x128xf32, #tpu.memory_space<vmem>> -> memref<1x32x128xf32, #tpu.memory_space<vmem>>
      %dma_start3A_408 = tpu.memref_squeeze %dma_start3A_407 : memref<1x32x128xf32, #tpu.memory_space<vmem>> -> memref<32x128xf32, #tpu.memory_space<vmem>>
      %dma_start3A_409 = arith.constant 0 : i32
      %dma_start3A_410 = tpu.memref_slice %arg3[%dma_start3A_409, %multiple_of3A_402] : memref<32x1000000xf32, #tpu.memory_space<hbm>> -> memref<32x128xf32, #tpu.memory_space<hbm>>
      %dma_start3A_411 = tpu.memref_slice %arg8[%dma_start3A_404] : memref<8x!tpu.dma_semaphore, #tpu.memory_space<semaphore_mem>> -> memref<1x!tpu.dma_semaphore, #tpu.memory_space<semaphore_mem>>
      %dma_start3A_412 = tpu.memref_squeeze %dma_start3A_411 : memref<1x!tpu.dma_semaphore, #tpu.memory_space<semaphore_mem>> -> memref<!tpu.dma_semaphore, #tpu.memory_space<semaphore_mem>>
      %dma_start3A_413 = arith.constant 0 : i32
      %dma_start3A_414 = arith.constant 0 : i32
      %dma_start3A_415 = tpu.memref_slice %arg6[%dma_start3A_403, %dma_start3A_413, %dma_start3A_414] : memref<8x32x128xf32, #tpu.memory_space<vmem>> -> memref<1x32x128xf32, #tpu.memory_space<vmem>>
      %dma_start3A_416 = tpu.memref_squeeze %dma_start3A_415 : memref<1x32x128xf32, #tpu.memory_space<vmem>> -> memref<32x128xf32, #tpu.memory_space<vmem>>
      %dma_start3A_417 = arith.constant 0 : i32
      %dma_start3A_418 = tpu.memref_slice %arg3[%dma_start3A_417, %multiple_of3A_402] : memref<32x1000000xf32, #tpu.memory_space<hbm>> -> memref<32x128xf32, #tpu.memory_space<hbm>>
      tpu.enqueue_dma source(%dma_start3A_418 : memref<32x128xf32, #tpu.memory_space<hbm>>) target(%dma_start3A_416 : memref<32x128xf32, #tpu.memory_space<vmem>>) target_semaphore(%dma_start3A_412 : memref<!tpu.dma_semaphore, #tpu.memory_space<semaphore_mem>>)
      %dma_wait3A_419 = arith.constant 3 : i32
      %dma_wait3A_420 = arith.constant 3 : i32
      %dma_wait3A_421 = arith.constant 0 : i32
      %dma_wait3A_422 = arith.constant 0 : i32
      %dma_wait3A_423 = tpu.memref_slice %arg6[%dma_wait3A_419, %dma_wait3A_421, %dma_wait3A_422] : memref<8x32x128xf32, #tpu.memory_space<vmem>> -> memref<1x32x128xf32, #tpu.memory_space<vmem>>
      %dma_wait3A_424 = tpu.memref_squeeze %dma_wait3A_423 : memref<1x32x128xf32, #tpu.memory_space<vmem>> -> memref<32x128xf32, #tpu.memory_space<vmem>>
      %dma_wait3A_425 = arith.constant 0 : i32
      %dma_wait3A_426 = arith.constant 0 : i32
      %dma_wait3A_427 = tpu.memref_slice %arg3[%dma_wait3A_425, %dma_wait3A_426] : memref<32x1000000xf32, #tpu.memory_space<hbm>> -> memref<32x128xf32, #tpu.memory_space<hbm>>
      %dma_wait3A_428 = tpu.memref_slice %arg8[%dma_wait3A_420] : memref<8x!tpu.dma_semaphore, #tpu.memory_space<semaphore_mem>> -> memref<1x!tpu.dma_semaphore, #tpu.memory_space<semaphore_mem>>
      %dma_wait3A_429 = tpu.memref_squeeze %dma_wait3A_428 : memref<1x!tpu.dma_semaphore, #tpu.memory_space<semaphore_mem>> -> memref<!tpu.dma_semaphore, #tpu.memory_space<semaphore_mem>>
      %dma_wait3A_430 = arith.constant 0 : i32
      %dma_wait3A_431 = arith.constant 0 : i32
      %dma_wait3A_432 = tpu.memref_slice %arg6[%dma_wait3A_419, %dma_wait3A_430, %dma_wait3A_431] : memref<8x32x128xf32, #tpu.memory_space<vmem>> -> memref<1x32x128xf32, #tpu.memory_space<vmem>>
      %dma_wait3A_433 = tpu.memref_squeeze %dma_wait3A_432 : memref<1x32x128xf32, #tpu.memory_space<vmem>> -> memref<32x128xf32, #tpu.memory_space<vmem>>
      %dma_wait3A_434 = arith.constant 0 : i32
      %dma_wait3A_435 = arith.constant 0 : i32
      %dma_wait3A_436 = tpu.memref_slice %arg3[%dma_wait3A_434, %dma_wait3A_435] : memref<32x1000000xf32, #tpu.memory_space<hbm>> -> memref<32x128xf32, #tpu.memory_space<hbm>>
      tpu.wait_dma2 semaphore(%dma_wait3A_429 : memref<!tpu.dma_semaphore, #tpu.memory_space<semaphore_mem>>) src(%dma_wait3A_436 : memref<32x128xf32, #tpu.memory_space<hbm>>) dst(%dma_wait3A_433 : memref<32x128xf32, #tpu.memory_space<vmem>>)
      %slice3A_437 = vector.extract_strided_slice %get3A_199 {offsets = [3], sizes = [1], strides = [1]} : vector<16xi32> to vector<1xi32>
      %squeeze3A_438 = vector.extract %slice3A_437[0] : i32 from vector<1xi32>
      %and3A_439 = arith.constant 127 : i32
      %and3A_440 = arith.andi %squeeze3A_438, %and3A_439 : i32
      %broadcast_in_dim3A_441 = vector.broadcast %and3A_440 : i32 to vector<16xi32>
      %gather3A_442 = arith.constant 3 : i32
      %gather3A_443 = arith.constant 0 : i32
      %gather3A_444 = arith.constant 0 : i32
      %gather3A_445 = tpu.memref_slice %arg6[%gather3A_442, %gather3A_443, %gather3A_444] : memref<8x32x128xf32, #tpu.memory_space<vmem>> -> memref<1x32x128xf32, #tpu.memory_space<vmem>>
      %gather3A_446 = tpu.memref_squeeze %gather3A_445 : memref<1x32x128xf32, #tpu.memory_space<vmem>> -> memref<32x128xf32, #tpu.memory_space<vmem>>
      %gather3A_447 = tpu.vector_load_idx %gather3A_446[%iota3A, %broadcast_in_dim3A_441] : memref<32x128xf32, #tpu.memory_space<vmem>>[vector<16xi32>, vector<16xi32>], vector<16xf32>,
      %gather3A_448 = arith.constant 3 : i32
      %gather3A_449 = arith.constant 0 : i32
      %gather3A_450 = arith.constant 0 : i32
      %gather3A_451 = tpu.memref_slice %arg6[%gather3A_448, %gather3A_449, %gather3A_450] : memref<8x32x128xf32, #tpu.memory_space<vmem>> -> memref<1x32x128xf32, #tpu.memory_space<vmem>>
      %gather3A_452 = tpu.memref_squeeze %gather3A_451 : memref<1x32x128xf32, #tpu.memory_space<vmem>> -> memref<32x128xf32, #tpu.memory_space<vmem>>
      %gather3A_453 = tpu.vector_load_idx %gather3A_452[%add3A_5, %broadcast_in_dim3A_441] : memref<32x128xf32, #tpu.memory_space<vmem>>[vector<16xi32>, vector<16xi32>], vector<16xf32>,
      %mul3A_454 = arith.constant 16 : i32
      %mul3A_455 = arith.muli %scan3A_193, %mul3A_454 : i32
      %add3A_456 = arith.constant 3 : i32
      %add3A_457 = arith.addi %mul3A_455, %add3A_456 : i32
      %swap3A_458 = arith.index_cast %add3A_457 : i32 to index
      %swap3A_459 = arith.constant 0 : index
      %swap3A_460 = tpu.vector_load %arg7[%swap3A_458, %swap3A_459] {strides = array<i32>} : memref<512x32xf32, #tpu.memory_space<vmem>>, vector<16xf32>,
      tpu.vector_store %arg7[%swap3A_458, %swap3A_459], %gather3A_447 {strides = array<i32>} : memref<512x32xf32, #tpu.memory_space<vmem>>, vector<16xf32>,
      %swap3A_461 = arith.index_cast %add3A_457 : i32 to index
      %swap3A_462 = arith.constant 16 : index
      %swap3A_463 = tpu.vector_load %arg7[%swap3A_461, %swap3A_462] {strides = array<i32>} : memref<512x32xf32, #tpu.memory_space<vmem>>, vector<16xf32>,
      tpu.vector_store %arg7[%swap3A_461, %swap3A_462], %gather3A_453 {strides = array<i32>} : memref<512x32xf32, #tpu.memory_space<vmem>>, vector<16xf32>,
      %slice3A_464 = vector.extract_strided_slice %get3A_199 {offsets = [11], sizes = [1], strides = [1]} : vector<16xi32> to vector<1xi32>
      %squeeze3A_465 = vector.extract %slice3A_464[0] : i32 from vector<1xi32>
      %shift_right_arithmetic3A_466 = arith.constant 7 : i32
      %shift_right_arithmetic3A_467 = arith.shrsi %squeeze3A_465, %shift_right_arithmetic3A_466 : i32
      %mul3A_468 = arith.constant 128 : i32
      %mul3A_469 = arith.muli %shift_right_arithmetic3A_467, %mul3A_468 : i32
      %multiple_of3A_470 = tpu.assume_multiple %mul3A_469, 128 : i32
      %dma_start3A_471 = arith.constant 3 : i32
      %dma_start3A_472 = arith.constant 3 : i32
      %dma_start3A_473 = arith.constant 0 : i32
      %dma_start3A_474 = arith.constant 0 : i32
      %dma_start3A_475 = tpu.memref_slice %arg6[%dma_start3A_471, %dma_start3A_473, %dma_start3A_474] : memref<8x32x128xf32, #tpu.memory_space<vmem>> -> memref<1x32x128xf32, #tpu.memory_space<vmem>>
      %dma_start3A_476 = tpu.memref_squeeze %dma_start3A_475 : memref<1x32x128xf32, #tpu.memory_space<vmem>> -> memref<32x128xf32, #tpu.memory_space<vmem>>
      %dma_start3A_477 = arith.constant 0 : i32
      %dma_start3A_478 = tpu.memref_slice %arg3[%dma_start3A_477, %multiple_of3A_470] : memref<32x1000000xf32, #tpu.memory_space<hbm>> -> memref<32x128xf32, #tpu.memory_space<hbm>>
      %dma_start3A_479 = tpu.memref_slice %arg8[%dma_start3A_472] : memref<8x!tpu.dma_semaphore, #tpu.memory_space<semaphore_mem>> -> memref<1x!tpu.dma_semaphore, #tpu.memory_space<semaphore_mem>>
      %dma_start3A_480 = tpu.memref_squeeze %dma_start3A_479 : memref<1x!tpu.dma_semaphore, #tpu.memory_space<semaphore_mem>> -> memref<!tpu.dma_semaphore, #tpu.memory_space<semaphore_mem>>
      %dma_start3A_481 = arith.constant 0 : i32
      %dma_start3A_482 = arith.constant 0 : i32
      %dma_start3A_483 = tpu.memref_slice %arg6[%dma_start3A_471, %dma_start3A_481, %dma_start3A_482] : memref<8x32x128xf32, #tpu.memory_space<vmem>> -> memref<1x32x128xf32, #tpu.memory_space<vmem>>
      %dma_start3A_484 = tpu.memref_squeeze %dma_start3A_483 : memref<1x32x128xf32, #tpu.memory_space<vmem>> -> memref<32x128xf32, #tpu.memory_space<vmem>>
      %dma_start3A_485 = arith.constant 0 : i32
      %dma_start3A_486 = tpu.memref_slice %arg3[%dma_start3A_485, %multiple_of3A_470] : memref<32x1000000xf32, #tpu.memory_space<hbm>> -> memref<32x128xf32, #tpu.memory_space<hbm>>
      tpu.enqueue_dma source(%dma_start3A_486 : memref<32x128xf32, #tpu.memory_space<hbm>>) target(%dma_start3A_484 : memref<32x128xf32, #tpu.memory_space<vmem>>) target_semaphore(%dma_start3A_480 : memref<!tpu.dma_semaphore, #tpu.memory_space<semaphore_mem>>)
      %dma_wait3A_487 = arith.constant 4 : i32
      %dma_wait3A_488 = arith.constant 4 : i32
      %dma_wait3A_489 = arith.constant 0 : i32
      %dma_wait3A_490 = arith.constant 0 : i32
      %dma_wait3A_491 = tpu.memref_slice %arg6[%dma_wait3A_487, %dma_wait3A_489, %dma_wait3A_490] : memref<8x32x128xf32, #tpu.memory_space<vmem>> -> memref<1x32x128xf32, #tpu.memory_space<vmem>>
      %dma_wait3A_492 = tpu.memref_squeeze %dma_wait3A_491 : memref<1x32x128xf32, #tpu.memory_space<vmem>> -> memref<32x128xf32, #tpu.memory_space<vmem>>
      %dma_wait3A_493 = arith.constant 0 : i32
      %dma_wait3A_494 = arith.constant 0 : i32
      %dma_wait3A_495 = tpu.memref_slice %arg3[%dma_wait3A_493, %dma_wait3A_494] : memref<32x1000000xf32, #tpu.memory_space<hbm>> -> memref<32x128xf32, #tpu.memory_space<hbm>>
      %dma_wait3A_496 = tpu.memref_slice %arg8[%dma_wait3A_488] : memref<8x!tpu.dma_semaphore, #tpu.memory_space<semaphore_mem>> -> memref<1x!tpu.dma_semaphore, #tpu.memory_space<semaphore_mem>>
      %dma_wait3A_497 = tpu.memref_squeeze %dma_wait3A_496 : memref<1x!tpu.dma_semaphore, #tpu.memory_space<semaphore_mem>> -> memref<!tpu.dma_semaphore, #tpu.memory_space<semaphore_mem>>
      %dma_wait3A_498 = arith.constant 0 : i32
      %dma_wait3A_499 = arith.constant 0 : i32
      %dma_wait3A_500 = tpu.memref_slice %arg6[%dma_wait3A_487, %dma_wait3A_498, %dma_wait3A_499] : memref<8x32x128xf32, #tpu.memory_space<vmem>> -> memref<1x32x128xf32, #tpu.memory_space<vmem>>
      %dma_wait3A_501 = tpu.memref_squeeze %dma_wait3A_500 : memref<1x32x128xf32, #tpu.memory_space<vmem>> -> memref<32x128xf32, #tpu.memory_space<vmem>>
      %dma_wait3A_502 = arith.constant 0 : i32
      %dma_wait3A_503 = arith.constant 0 : i32
      %dma_wait3A_504 = tpu.memref_slice %arg3[%dma_wait3A_502, %dma_wait3A_503] : memref<32x1000000xf32, #tpu.memory_space<hbm>> -> memref<32x128xf32, #tpu.memory_space<hbm>>
      tpu.wait_dma2 semaphore(%dma_wait3A_497 : memref<!tpu.dma_semaphore, #tpu.memory_space<semaphore_mem>>) src(%dma_wait3A_504 : memref<32x128xf32, #tpu.memory_space<hbm>>) dst(%dma_wait3A_501 : memref<32x128xf32, #tpu.memory_space<vmem>>)
      %slice3A_505 = vector.extract_strided_slice %get3A_199 {offsets = [4], sizes = [1], strides = [1]} : vector<16xi32> to vector<1xi32>
      %squeeze3A_506 = vector.extract %slice3A_505[0] : i32 from vector<1xi32>
      %and3A_507 = arith.constant 127 : i32
      %and3A_508 = arith.andi %squeeze3A_506, %and3A_507 : i32
      %broadcast_in_dim3A_509 = vector.broadcast %and3A_508 : i32 to vector<16xi32>
      %gather3A_510 = arith.constant 4 : i32
      %gather3A_511 = arith.constant 0 : i32
      %gather3A_512 = arith.constant 0 : i32
      %gather3A_513 = tpu.memref_slice %arg6[%gather3A_510, %gather3A_511, %gather3A_512] : memref<8x32x128xf32, #tpu.memory_space<vmem>> -> memref<1x32x128xf32, #tpu.memory_space<vmem>>
      %gather3A_514 = tpu.memref_squeeze %gather3A_513 : memref<1x32x128xf32, #tpu.memory_space<vmem>> -> memref<32x128xf32, #tpu.memory_space<vmem>>
      %gather3A_515 = tpu.vector_load_idx %gather3A_514[%iota3A, %broadcast_in_dim3A_509] : memref<32x128xf32, #tpu.memory_space<vmem>>[vector<16xi32>, vector<16xi32>], vector<16xf32>,
      %gather3A_516 = arith.constant 4 : i32
      %gather3A_517 = arith.constant 0 : i32
      %gather3A_518 = arith.constant 0 : i32
      %gather3A_519 = tpu.memref_slice %arg6[%gather3A_516, %gather3A_517, %gather3A_518] : memref<8x32x128xf32, #tpu.memory_space<vmem>> -> memref<1x32x128xf32, #tpu.memory_space<vmem>>
      %gather3A_520 = tpu.memref_squeeze %gather3A_519 : memref<1x32x128xf32, #tpu.memory_space<vmem>> -> memref<32x128xf32, #tpu.memory_space<vmem>>
      %gather3A_521 = tpu.vector_load_idx %gather3A_520[%add3A_5, %broadcast_in_dim3A_509] : memref<32x128xf32, #tpu.memory_space<vmem>>[vector<16xi32>, vector<16xi32>], vector<16xf32>,
      %mul3A_522 = arith.constant 16 : i32
      %mul3A_523 = arith.muli %scan3A_193, %mul3A_522 : i32
      %add3A_524 = arith.constant 4 : i32
      %add3A_525 = arith.addi %mul3A_523, %add3A_524 : i32
      %swap3A_526 = arith.index_cast %add3A_525 : i32 to index
      %swap3A_527 = arith.constant 0 : index
      %swap3A_528 = tpu.vector_load %arg7[%swap3A_526, %swap3A_527] {strides = array<i32>} : memref<512x32xf32, #tpu.memory_space<vmem>>, vector<16xf32>,
      tpu.vector_store %arg7[%swap3A_526, %swap3A_527], %gather3A_515 {strides = array<i32>} : memref<512x32xf32, #tpu.memory_space<vmem>>, vector<16xf32>,
      %swap3A_529 = arith.index_cast %add3A_525 : i32 to index
      %swap3A_530 = arith.constant 16 : index
      %swap3A_531 = tpu.vector_load %arg7[%swap3A_529, %swap3A_530] {strides = array<i32>} : memref<512x32xf32, #tpu.memory_space<vmem>>, vector<16xf32>,
      tpu.vector_store %arg7[%swap3A_529, %swap3A_530], %gather3A_521 {strides = array<i32>} : memref<512x32xf32, #tpu.memory_space<vmem>>, vector<16xf32>,
      %slice3A_532 = vector.extract_strided_slice %get3A_199 {offsets = [12], sizes = [1], strides = [1]} : vector<16xi32> to vector<1xi32>
      %squeeze3A_533 = vector.extract %slice3A_532[0] : i32 from vector<1xi32>
      %shift_right_arithmetic3A_534 = arith.constant 7 : i32
      %shift_right_arithmetic3A_535 = arith.shrsi %squeeze3A_533, %shift_right_arithmetic3A_534 : i32
      %mul3A_536 = arith.constant 128 : i32
      %mul3A_537 = arith.muli %shift_right_arithmetic3A_535, %mul3A_536 : i32
      %multiple_of3A_538 = tpu.assume_multiple %mul3A_537, 128 : i32
      %dma_start3A_539 = arith.constant 4 : i32
      %dma_start3A_540 = arith.constant 4 : i32
      %dma_start3A_541 = arith.constant 0 : i32
      %dma_start3A_542 = arith.constant 0 : i32
      %dma_start3A_543 = tpu.memref_slice %arg6[%dma_start3A_539, %dma_start3A_541, %dma_start3A_542] : memref<8x32x128xf32, #tpu.memory_space<vmem>> -> memref<1x32x128xf32, #tpu.memory_space<vmem>>
      %dma_start3A_544 = tpu.memref_squeeze %dma_start3A_543 : memref<1x32x128xf32, #tpu.memory_space<vmem>> -> memref<32x128xf32, #tpu.memory_space<vmem>>
      %dma_start3A_545 = arith.constant 0 : i32
      %dma_start3A_546 = tpu.memref_slice %arg3[%dma_start3A_545, %multiple_of3A_538] : memref<32x1000000xf32, #tpu.memory_space<hbm>> -> memref<32x128xf32, #tpu.memory_space<hbm>>
      %dma_start3A_547 = tpu.memref_slice %arg8[%dma_start3A_540] : memref<8x!tpu.dma_semaphore, #tpu.memory_space<semaphore_mem>> -> memref<1x!tpu.dma_semaphore, #tpu.memory_space<semaphore_mem>>
      %dma_start3A_548 = tpu.memref_squeeze %dma_start3A_547 : memref<1x!tpu.dma_semaphore, #tpu.memory_space<semaphore_mem>> -> memref<!tpu.dma_semaphore, #tpu.memory_space<semaphore_mem>>
      %dma_start3A_549 = arith.constant 0 : i32
      %dma_start3A_550 = arith.constant 0 : i32
      %dma_start3A_551 = tpu.memref_slice %arg6[%dma_start3A_539, %dma_start3A_549, %dma_start3A_550] : memref<8x32x128xf32, #tpu.memory_space<vmem>> -> memref<1x32x128xf32, #tpu.memory_space<vmem>>
      %dma_start3A_552 = tpu.memref_squeeze %dma_start3A_551 : memref<1x32x128xf32, #tpu.memory_space<vmem>> -> memref<32x128xf32, #tpu.memory_space<vmem>>
      %dma_start3A_553 = arith.constant 0 : i32
      %dma_start3A_554 = tpu.memref_slice %arg3[%dma_start3A_553, %multiple_of3A_538] : memref<32x1000000xf32, #tpu.memory_space<hbm>> -> memref<32x128xf32, #tpu.memory_space<hbm>>
      tpu.enqueue_dma source(%dma_start3A_554 : memref<32x128xf32, #tpu.memory_space<hbm>>) target(%dma_start3A_552 : memref<32x128xf32, #tpu.memory_space<vmem>>) target_semaphore(%dma_start3A_548 : memref<!tpu.dma_semaphore, #tpu.memory_space<semaphore_mem>>)
      %dma_wait3A_555 = arith.constant 5 : i32
      %dma_wait3A_556 = arith.constant 5 : i32
      %dma_wait3A_557 = arith.constant 0 : i32
      %dma_wait3A_558 = arith.constant 0 : i32
      %dma_wait3A_559 = tpu.memref_slice %arg6[%dma_wait3A_555, %dma_wait3A_557, %dma_wait3A_558] : memref<8x32x128xf32, #tpu.memory_space<vmem>> -> memref<1x32x128xf32, #tpu.memory_space<vmem>>
      %dma_wait3A_560 = tpu.memref_squeeze %dma_wait3A_559 : memref<1x32x128xf32, #tpu.memory_space<vmem>> -> memref<32x128xf32, #tpu.memory_space<vmem>>
      %dma_wait3A_561 = arith.constant 0 : i32
      %dma_wait3A_562 = arith.constant 0 : i32
      %dma_wait3A_563 = tpu.memref_slice %arg3[%dma_wait3A_561, %dma_wait3A_562] : memref<32x1000000xf32, #tpu.memory_space<hbm>> -> memref<32x128xf32, #tpu.memory_space<hbm>>
      %dma_wait3A_564 = tpu.memref_slice %arg8[%dma_wait3A_556] : memref<8x!tpu.dma_semaphore, #tpu.memory_space<semaphore_mem>> -> memref<1x!tpu.dma_semaphore, #tpu.memory_space<semaphore_mem>>
      %dma_wait3A_565 = tpu.memref_squeeze %dma_wait3A_564 : memref<1x!tpu.dma_semaphore, #tpu.memory_space<semaphore_mem>> -> memref<!tpu.dma_semaphore, #tpu.memory_space<semaphore_mem>>
      %dma_wait3A_566 = arith.constant 0 : i32
      %dma_wait3A_567 = arith.constant 0 : i32
      %dma_wait3A_568 = tpu.memref_slice %arg6[%dma_wait3A_555, %dma_wait3A_566, %dma_wait3A_567] : memref<8x32x128xf32, #tpu.memory_space<vmem>> -> memref<1x32x128xf32, #tpu.memory_space<vmem>>
      %dma_wait3A_569 = tpu.memref_squeeze %dma_wait3A_568 : memref<1x32x128xf32, #tpu.memory_space<vmem>> -> memref<32x128xf32, #tpu.memory_space<vmem>>
      %dma_wait3A_570 = arith.constant 0 : i32
      %dma_wait3A_571 = arith.constant 0 : i32
      %dma_wait3A_572 = tpu.memref_slice %arg3[%dma_wait3A_570, %dma_wait3A_571] : memref<32x1000000xf32, #tpu.memory_space<hbm>> -> memref<32x128xf32, #tpu.memory_space<hbm>>
      tpu.wait_dma2 semaphore(%dma_wait3A_565 : memref<!tpu.dma_semaphore, #tpu.memory_space<semaphore_mem>>) src(%dma_wait3A_572 : memref<32x128xf32, #tpu.memory_space<hbm>>) dst(%dma_wait3A_569 : memref<32x128xf32, #tpu.memory_space<vmem>>)
      %slice3A_573 = vector.extract_strided_slice %get3A_199 {offsets = [5], sizes = [1], strides = [1]} : vector<16xi32> to vector<1xi32>
      %squeeze3A_574 = vector.extract %slice3A_573[0] : i32 from vector<1xi32>
      %and3A_575 = arith.constant 127 : i32
      %and3A_576 = arith.andi %squeeze3A_574, %and3A_575 : i32
      %broadcast_in_dim3A_577 = vector.broadcast %and3A_576 : i32 to vector<16xi32>
      %gather3A_578 = arith.constant 5 : i32
      %gather3A_579 = arith.constant 0 : i32
      %gather3A_580 = arith.constant 0 : i32
      %gather3A_581 = tpu.memref_slice %arg6[%gather3A_578, %gather3A_579, %gather3A_580] : memref<8x32x128xf32, #tpu.memory_space<vmem>> -> memref<1x32x128xf32, #tpu.memory_space<vmem>>
      %gather3A_582 = tpu.memref_squeeze %gather3A_581 : memref<1x32x128xf32, #tpu.memory_space<vmem>> -> memref<32x128xf32, #tpu.memory_space<vmem>>
      %gather3A_583 = tpu.vector_load_idx %gather3A_582[%iota3A, %broadcast_in_dim3A_577] : memref<32x128xf32, #tpu.memory_space<vmem>>[vector<16xi32>, vector<16xi32>], vector<16xf32>,
      %gather3A_584 = arith.constant 5 : i32
      %gather3A_585 = arith.constant 0 : i32
      %gather3A_586 = arith.constant 0 : i32
      %gather3A_587 = tpu.memref_slice %arg6[%gather3A_584, %gather3A_585, %gather3A_586] : memref<8x32x128xf32, #tpu.memory_space<vmem>> -> memref<1x32x128xf32, #tpu.memory_space<vmem>>
      %gather3A_588 = tpu.memref_squeeze %gather3A_587 : memref<1x32x128xf32, #tpu.memory_space<vmem>> -> memref<32x128xf32, #tpu.memory_space<vmem>>
      %gather3A_589 = tpu.vector_load_idx %gather3A_588[%add3A_5, %broadcast_in_dim3A_577] : memref<32x128xf32, #tpu.memory_space<vmem>>[vector<16xi32>, vector<16xi32>], vector<16xf32>,
      %mul3A_590 = arith.constant 16 : i32
      %mul3A_591 = arith.muli %scan3A_193, %mul3A_590 : i32
      %add3A_592 = arith.constant 5 : i32
      %add3A_593 = arith.addi %mul3A_591, %add3A_592 : i32
      %swap3A_594 = arith.index_cast %add3A_593 : i32 to index
      %swap3A_595 = arith.constant 0 : index
      %swap3A_596 = tpu.vector_load %arg7[%swap3A_594, %swap3A_595] {strides = array<i32>} : memref<512x32xf32, #tpu.memory_space<vmem>>, vector<16xf32>,
      tpu.vector_store %arg7[%swap3A_594, %swap3A_595], %gather3A_583 {strides = array<i32>} : memref<512x32xf32, #tpu.memory_space<vmem>>, vector<16xf32>,
      %swap3A_597 = arith.index_cast %add3A_593 : i32 to index
      %swap3A_598 = arith.constant 16 : index
      %swap3A_599 = tpu.vector_load %arg7[%swap3A_597, %swap3A_598] {strides = array<i32>} : memref<512x32xf32, #tpu.memory_space<vmem>>, vector<16xf32>,
      tpu.vector_store %arg7[%swap3A_597, %swap3A_598], %gather3A_589 {strides = array<i32>} : memref<512x32xf32, #tpu.memory_space<vmem>>, vector<16xf32>,
      %slice3A_600 = vector.extract_strided_slice %get3A_199 {offsets = [13], sizes = [1], strides = [1]} : vector<16xi32> to vector<1xi32>
      %squeeze3A_601 = vector.extract %slice3A_600[0] : i32 from vector<1xi32>
      %shift_right_arithmetic3A_602 = arith.constant 7 : i32
      %shift_right_arithmetic3A_603 = arith.shrsi %squeeze3A_601, %shift_right_arithmetic3A_602 : i32
      %mul3A_604 = arith.constant 128 : i32
      %mul3A_605 = arith.muli %shift_right_arithmetic3A_603, %mul3A_604 : i32
      %multiple_of3A_606 = tpu.assume_multiple %mul3A_605, 128 : i32
      %dma_start3A_607 = arith.constant 5 : i32
      %dma_start3A_608 = arith.constant 5 : i32
      %dma_start3A_609 = arith.constant 0 : i32
      %dma_start3A_610 = arith.constant 0 : i32
      %dma_start3A_611 = tpu.memref_slice %arg6[%dma_start3A_607, %dma_start3A_609, %dma_start3A_610] : memref<8x32x128xf32, #tpu.memory_space<vmem>> -> memref<1x32x128xf32, #tpu.memory_space<vmem>>
      %dma_start3A_612 = tpu.memref_squeeze %dma_start3A_611 : memref<1x32x128xf32, #tpu.memory_space<vmem>> -> memref<32x128xf32, #tpu.memory_space<vmem>>
      %dma_start3A_613 = arith.constant 0 : i32
      %dma_start3A_614 = tpu.memref_slice %arg3[%dma_start3A_613, %multiple_of3A_606] : memref<32x1000000xf32, #tpu.memory_space<hbm>> -> memref<32x128xf32, #tpu.memory_space<hbm>>
      %dma_start3A_615 = tpu.memref_slice %arg8[%dma_start3A_608] : memref<8x!tpu.dma_semaphore, #tpu.memory_space<semaphore_mem>> -> memref<1x!tpu.dma_semaphore, #tpu.memory_space<semaphore_mem>>
      %dma_start3A_616 = tpu.memref_squeeze %dma_start3A_615 : memref<1x!tpu.dma_semaphore, #tpu.memory_space<semaphore_mem>> -> memref<!tpu.dma_semaphore, #tpu.memory_space<semaphore_mem>>
      %dma_start3A_617 = arith.constant 0 : i32
      %dma_start3A_618 = arith.constant 0 : i32
      %dma_start3A_619 = tpu.memref_slice %arg6[%dma_start3A_607, %dma_start3A_617, %dma_start3A_618] : memref<8x32x128xf32, #tpu.memory_space<vmem>> -> memref<1x32x128xf32, #tpu.memory_space<vmem>>
      %dma_start3A_620 = tpu.memref_squeeze %dma_start3A_619 : memref<1x32x128xf32, #tpu.memory_space<vmem>> -> memref<32x128xf32, #tpu.memory_space<vmem>>
      %dma_start3A_621 = arith.constant 0 : i32
      %dma_start3A_622 = tpu.memref_slice %arg3[%dma_start3A_621, %multiple_of3A_606] : memref<32x1000000xf32, #tpu.memory_space<hbm>> -> memref<32x128xf32, #tpu.memory_space<hbm>>
      tpu.enqueue_dma source(%dma_start3A_622 : memref<32x128xf32, #tpu.memory_space<hbm>>) target(%dma_start3A_620 : memref<32x128xf32, #tpu.memory_space<vmem>>) target_semaphore(%dma_start3A_616 : memref<!tpu.dma_semaphore, #tpu.memory_space<semaphore_mem>>)
      %dma_wait3A_623 = arith.constant 6 : i32
      %dma_wait3A_624 = arith.constant 6 : i32
      %dma_wait3A_625 = arith.constant 0 : i32
      %dma_wait3A_626 = arith.constant 0 : i32
      %dma_wait3A_627 = tpu.memref_slice %arg6[%dma_wait3A_623, %dma_wait3A_625, %dma_wait3A_626] : memref<8x32x128xf32, #tpu.memory_space<vmem>> -> memref<1x32x128xf32, #tpu.memory_space<vmem>>
      %dma_wait3A_628 = tpu.memref_squeeze %dma_wait3A_627 : memref<1x32x128xf32, #tpu.memory_space<vmem>> -> memref<32x128xf32, #tpu.memory_space<vmem>>
      %dma_wait3A_629 = arith.constant 0 : i32
      %dma_wait3A_630 = arith.constant 0 : i32
      %dma_wait3A_631 = tpu.memref_slice %arg3[%dma_wait3A_629, %dma_wait3A_630] : memref<32x1000000xf32, #tpu.memory_space<hbm>> -> memref<32x128xf32, #tpu.memory_space<hbm>>
      %dma_wait3A_632 = tpu.memref_slice %arg8[%dma_wait3A_624] : memref<8x!tpu.dma_semaphore, #tpu.memory_space<semaphore_mem>> -> memref<1x!tpu.dma_semaphore, #tpu.memory_space<semaphore_mem>>
      %dma_wait3A_633 = tpu.memref_squeeze %dma_wait3A_632 : memref<1x!tpu.dma_semaphore, #tpu.memory_space<semaphore_mem>> -> memref<!tpu.dma_semaphore, #tpu.memory_space<semaphore_mem>>
      %dma_wait3A_634 = arith.constant 0 : i32
      %dma_wait3A_635 = arith.constant 0 : i32
      %dma_wait3A_636 = tpu.memref_slice %arg6[%dma_wait3A_623, %dma_wait3A_634, %dma_wait3A_635] : memref<8x32x128xf32, #tpu.memory_space<vmem>> -> memref<1x32x128xf32, #tpu.memory_space<vmem>>
      %dma_wait3A_637 = tpu.memref_squeeze %dma_wait3A_636 : memref<1x32x128xf32, #tpu.memory_space<vmem>> -> memref<32x128xf32, #tpu.memory_space<vmem>>
      %dma_wait3A_638 = arith.constant 0 : i32
      %dma_wait3A_639 = arith.constant 0 : i32
      %dma_wait3A_640 = tpu.memref_slice %arg3[%dma_wait3A_638, %dma_wait3A_639] : memref<32x1000000xf32, #tpu.memory_space<hbm>> -> memref<32x128xf32, #tpu.memory_space<hbm>>
      tpu.wait_dma2 semaphore(%dma_wait3A_633 : memref<!tpu.dma_semaphore, #tpu.memory_space<semaphore_mem>>) src(%dma_wait3A_640 : memref<32x128xf32, #tpu.memory_space<hbm>>) dst(%dma_wait3A_637 : memref<32x128xf32, #tpu.memory_space<vmem>>)
      %slice3A_641 = vector.extract_strided_slice %get3A_199 {offsets = [6], sizes = [1], strides = [1]} : vector<16xi32> to vector<1xi32>
      %squeeze3A_642 = vector.extract %slice3A_641[0] : i32 from vector<1xi32>
      %and3A_643 = arith.constant 127 : i32
      %and3A_644 = arith.andi %squeeze3A_642, %and3A_643 : i32
      %broadcast_in_dim3A_645 = vector.broadcast %and3A_644 : i32 to vector<16xi32>
      %gather3A_646 = arith.constant 6 : i32
      %gather3A_647 = arith.constant 0 : i32
      %gather3A_648 = arith.constant 0 : i32
      %gather3A_649 = tpu.memref_slice %arg6[%gather3A_646, %gather3A_647, %gather3A_648] : memref<8x32x128xf32, #tpu.memory_space<vmem>> -> memref<1x32x128xf32, #tpu.memory_space<vmem>>
      %gather3A_650 = tpu.memref_squeeze %gather3A_649 : memref<1x32x128xf32, #tpu.memory_space<vmem>> -> memref<32x128xf32, #tpu.memory_space<vmem>>
      %gather3A_651 = tpu.vector_load_idx %gather3A_650[%iota3A, %broadcast_in_dim3A_645] : memref<32x128xf32, #tpu.memory_space<vmem>>[vector<16xi32>, vector<16xi32>], vector<16xf32>,
      %gather3A_652 = arith.constant 6 : i32
      %gather3A_653 = arith.constant 0 : i32
      %gather3A_654 = arith.constant 0 : i32
      %gather3A_655 = tpu.memref_slice %arg6[%gather3A_652, %gather3A_653, %gather3A_654] : memref<8x32x128xf32, #tpu.memory_space<vmem>> -> memref<1x32x128xf32, #tpu.memory_space<vmem>>
      %gather3A_656 = tpu.memref_squeeze %gather3A_655 : memref<1x32x128xf32, #tpu.memory_space<vmem>> -> memref<32x128xf32, #tpu.memory_space<vmem>>
      %gather3A_657 = tpu.vector_load_idx %gather3A_656[%add3A_5, %broadcast_in_dim3A_645] : memref<32x128xf32, #tpu.memory_space<vmem>>[vector<16xi32>, vector<16xi32>], vector<16xf32>,
      %mul3A_658 = arith.constant 16 : i32
      %mul3A_659 = arith.muli %scan3A_193, %mul3A_658 : i32
      %add3A_660 = arith.constant 6 : i32
      %add3A_661 = arith.addi %mul3A_659, %add3A_660 : i32
      %swap3A_662 = arith.index_cast %add3A_661 : i32 to index
      %swap3A_663 = arith.constant 0 : index
      %swap3A_664 = tpu.vector_load %arg7[%swap3A_662, %swap3A_663] {strides = array<i32>} : memref<512x32xf32, #tpu.memory_space<vmem>>, vector<16xf32>,
      tpu.vector_store %arg7[%swap3A_662, %swap3A_663], %gather3A_651 {strides = array<i32>} : memref<512x32xf32, #tpu.memory_space<vmem>>, vector<16xf32>,
      %swap3A_665 = arith.index_cast %add3A_661 : i32 to index
      %swap3A_666 = arith.constant 16 : index
      %swap3A_667 = tpu.vector_load %arg7[%swap3A_665, %swap3A_666] {strides = array<i32>} : memref<512x32xf32, #tpu.memory_space<vmem>>, vector<16xf32>,
      tpu.vector_store %arg7[%swap3A_665, %swap3A_666], %gather3A_657 {strides = array<i32>} : memref<512x32xf32, #tpu.memory_space<vmem>>, vector<16xf32>,
      %slice3A_668 = vector.extract_strided_slice %get3A_199 {offsets = [14], sizes = [1], strides = [1]} : vector<16xi32> to vector<1xi32>
      %squeeze3A_669 = vector.extract %slice3A_668[0] : i32 from vector<1xi32>
      %shift_right_arithmetic3A_670 = arith.constant 7 : i32
      %shift_right_arithmetic3A_671 = arith.shrsi %squeeze3A_669, %shift_right_arithmetic3A_670 : i32
      %mul3A_672 = arith.constant 128 : i32
      %mul3A_673 = arith.muli %shift_right_arithmetic3A_671, %mul3A_672 : i32
      %multiple_of3A_674 = tpu.assume_multiple %mul3A_673, 128 : i32
      %dma_start3A_675 = arith.constant 6 : i32
      %dma_start3A_676 = arith.constant 6 : i32
      %dma_start3A_677 = arith.constant 0 : i32
      %dma_start3A_678 = arith.constant 0 : i32
      %dma_start3A_679 = tpu.memref_slice %arg6[%dma_start3A_675, %dma_start3A_677, %dma_start3A_678] : memref<8x32x128xf32, #tpu.memory_space<vmem>> -> memref<1x32x128xf32, #tpu.memory_space<vmem>>
      %dma_start3A_680 = tpu.memref_squeeze %dma_start3A_679 : memref<1x32x128xf32, #tpu.memory_space<vmem>> -> memref<32x128xf32, #tpu.memory_space<vmem>>
      %dma_start3A_681 = arith.constant 0 : i32
      %dma_start3A_682 = tpu.memref_slice %arg3[%dma_start3A_681, %multiple_of3A_674] : memref<32x1000000xf32, #tpu.memory_space<hbm>> -> memref<32x128xf32, #tpu.memory_space<hbm>>
      %dma_start3A_683 = tpu.memref_slice %arg8[%dma_start3A_676] : memref<8x!tpu.dma_semaphore, #tpu.memory_space<semaphore_mem>> -> memref<1x!tpu.dma_semaphore, #tpu.memory_space<semaphore_mem>>
      %dma_start3A_684 = tpu.memref_squeeze %dma_start3A_683 : memref<1x!tpu.dma_semaphore, #tpu.memory_space<semaphore_mem>> -> memref<!tpu.dma_semaphore, #tpu.memory_space<semaphore_mem>>
      %dma_start3A_685 = arith.constant 0 : i32
      %dma_start3A_686 = arith.constant 0 : i32
      %dma_start3A_687 = tpu.memref_slice %arg6[%dma_start3A_675, %dma_start3A_685, %dma_start3A_686] : memref<8x32x128xf32, #tpu.memory_space<vmem>> -> memref<1x32x128xf32, #tpu.memory_space<vmem>>
      %dma_start3A_688 = tpu.memref_squeeze %dma_start3A_687 : memref<1x32x128xf32, #tpu.memory_space<vmem>> -> memref<32x128xf32, #tpu.memory_space<vmem>>
      %dma_start3A_689 = arith.constant 0 : i32
      %dma_start3A_690 = tpu.memref_slice %arg3[%dma_start3A_689, %multiple_of3A_674] : memref<32x1000000xf32, #tpu.memory_space<hbm>> -> memref<32x128xf32, #tpu.memory_space<hbm>>
      tpu.enqueue_dma source(%dma_start3A_690 : memref<32x128xf32, #tpu.memory_space<hbm>>) target(%dma_start3A_688 : memref<32x128xf32, #tpu.memory_space<vmem>>) target_semaphore(%dma_start3A_684 : memref<!tpu.dma_semaphore, #tpu.memory_space<semaphore_mem>>)
      %dma_wait3A_691 = arith.constant 7 : i32
      %dma_wait3A_692 = arith.constant 7 : i32
      %dma_wait3A_693 = arith.constant 0 : i32
      %dma_wait3A_694 = arith.constant 0 : i32
      %dma_wait3A_695 = tpu.memref_slice %arg6[%dma_wait3A_691, %dma_wait3A_693, %dma_wait3A_694] : memref<8x32x128xf32, #tpu.memory_space<vmem>> -> memref<1x32x128xf32, #tpu.memory_space<vmem>>
      %dma_wait3A_696 = tpu.memref_squeeze %dma_wait3A_695 : memref<1x32x128xf32, #tpu.memory_space<vmem>> -> memref<32x128xf32, #tpu.memory_space<vmem>>
      %dma_wait3A_697 = arith.constant 0 : i32
      %dma_wait3A_698 = arith.constant 0 : i32
      %dma_wait3A_699 = tpu.memref_slice %arg3[%dma_wait3A_697, %dma_wait3A_698] : memref<32x1000000xf32, #tpu.memory_space<hbm>> -> memref<32x128xf32, #tpu.memory_space<hbm>>
      %dma_wait3A_700 = tpu.memref_slice %arg8[%dma_wait3A_692] : memref<8x!tpu.dma_semaphore, #tpu.memory_space<semaphore_mem>> -> memref<1x!tpu.dma_semaphore, #tpu.memory_space<semaphore_mem>>
      %dma_wait3A_701 = tpu.memref_squeeze %dma_wait3A_700 : memref<1x!tpu.dma_semaphore, #tpu.memory_space<semaphore_mem>> -> memref<!tpu.dma_semaphore, #tpu.memory_space<semaphore_mem>>
      %dma_wait3A_702 = arith.constant 0 : i32
      %dma_wait3A_703 = arith.constant 0 : i32
      %dma_wait3A_704 = tpu.memref_slice %arg6[%dma_wait3A_691, %dma_wait3A_702, %dma_wait3A_703] : memref<8x32x128xf32, #tpu.memory_space<vmem>> -> memref<1x32x128xf32, #tpu.memory_space<vmem>>
      %dma_wait3A_705 = tpu.memref_squeeze %dma_wait3A_704 : memref<1x32x128xf32, #tpu.memory_space<vmem>> -> memref<32x128xf32, #tpu.memory_space<vmem>>
      %dma_wait3A_706 = arith.constant 0 : i32
      %dma_wait3A_707 = arith.constant 0 : i32
      %dma_wait3A_708 = tpu.memref_slice %arg3[%dma_wait3A_706, %dma_wait3A_707] : memref<32x1000000xf32, #tpu.memory_space<hbm>> -> memref<32x128xf32, #tpu.memory_space<hbm>>
      tpu.wait_dma2 semaphore(%dma_wait3A_701 : memref<!tpu.dma_semaphore, #tpu.memory_space<semaphore_mem>>) src(%dma_wait3A_708 : memref<32x128xf32, #tpu.memory_space<hbm>>) dst(%dma_wait3A_705 : memref<32x128xf32, #tpu.memory_space<vmem>>)
      %slice3A_709 = vector.extract_strided_slice %get3A_199 {offsets = [7], sizes = [1], strides = [1]} : vector<16xi32> to vector<1xi32>
      %squeeze3A_710 = vector.extract %slice3A_709[0] : i32 from vector<1xi32>
      %and3A_711 = arith.constant 127 : i32
      %and3A_712 = arith.andi %squeeze3A_710, %and3A_711 : i32
      %broadcast_in_dim3A_713 = vector.broadcast %and3A_712 : i32 to vector<16xi32>
      %gather3A_714 = arith.constant 7 : i32
      %gather3A_715 = arith.constant 0 : i32
      %gather3A_716 = arith.constant 0 : i32
      %gather3A_717 = tpu.memref_slice %arg6[%gather3A_714, %gather3A_715, %gather3A_716] : memref<8x32x128xf32, #tpu.memory_space<vmem>> -> memref<1x32x128xf32, #tpu.memory_space<vmem>>
      %gather3A_718 = tpu.memref_squeeze %gather3A_717 : memref<1x32x128xf32, #tpu.memory_space<vmem>> -> memref<32x128xf32, #tpu.memory_space<vmem>>
      %gather3A_719 = tpu.vector_load_idx %gather3A_718[%iota3A, %broadcast_in_dim3A_713] : memref<32x128xf32, #tpu.memory_space<vmem>>[vector<16xi32>, vector<16xi32>], vector<16xf32>,
      %gather3A_720 = arith.constant 7 : i32
      %gather3A_721 = arith.constant 0 : i32
      %gather3A_722 = arith.constant 0 : i32
      %gather3A_723 = tpu.memref_slice %arg6[%gather3A_720, %gather3A_721, %gather3A_722] : memref<8x32x128xf32, #tpu.memory_space<vmem>> -> memref<1x32x128xf32, #tpu.memory_space<vmem>>
      %gather3A_724 = tpu.memref_squeeze %gather3A_723 : memref<1x32x128xf32, #tpu.memory_space<vmem>> -> memref<32x128xf32, #tpu.memory_space<vmem>>
      %gather3A_725 = tpu.vector_load_idx %gather3A_724[%add3A_5, %broadcast_in_dim3A_713] : memref<32x128xf32, #tpu.memory_space<vmem>>[vector<16xi32>, vector<16xi32>], vector<16xf32>,
      %mul3A_726 = arith.constant 16 : i32
      %mul3A_727 = arith.muli %scan3A_193, %mul3A_726 : i32
      %add3A_728 = arith.constant 7 : i32
      %add3A_729 = arith.addi %mul3A_727, %add3A_728 : i32
      %swap3A_730 = arith.index_cast %add3A_729 : i32 to index
      %swap3A_731 = arith.constant 0 : index
      %swap3A_732 = tpu.vector_load %arg7[%swap3A_730, %swap3A_731] {strides = array<i32>} : memref<512x32xf32, #tpu.memory_space<vmem>>, vector<16xf32>,
      tpu.vector_store %arg7[%swap3A_730, %swap3A_731], %gather3A_719 {strides = array<i32>} : memref<512x32xf32, #tpu.memory_space<vmem>>, vector<16xf32>,
      %swap3A_733 = arith.index_cast %add3A_729 : i32 to index
      %swap3A_734 = arith.constant 16 : index
      %swap3A_735 = tpu.vector_load %arg7[%swap3A_733, %swap3A_734] {strides = array<i32>} : memref<512x32xf32, #tpu.memory_space<vmem>>, vector<16xf32>,
      tpu.vector_store %arg7[%swap3A_733, %swap3A_734], %gather3A_725 {strides = array<i32>} : memref<512x32xf32, #tpu.memory_space<vmem>>, vector<16xf32>,
      %slice3A_736 = vector.extract_strided_slice %get3A_199 {offsets = [15], sizes = [1], strides = [1]} : vector<16xi32> to vector<1xi32>
      %squeeze3A_737 = vector.extract %slice3A_736[0] : i32 from vector<1xi32>
      %shift_right_arithmetic3A_738 = arith.constant 7 : i32
      %shift_right_arithmetic3A_739 = arith.shrsi %squeeze3A_737, %shift_right_arithmetic3A_738 : i32
      %mul3A_740 = arith.constant 128 : i32
      %mul3A_741 = arith.muli %shift_right_arithmetic3A_739, %mul3A_740 : i32
      %multiple_of3A_742 = tpu.assume_multiple %mul3A_741, 128 : i32
      %dma_start3A_743 = arith.constant 7 : i32
      %dma_start3A_744 = arith.constant 7 : i32
      %dma_start3A_745 = arith.constant 0 : i32
      %dma_start3A_746 = arith.constant 0 : i32
      %dma_start3A_747 = tpu.memref_slice %arg6[%dma_start3A_743, %dma_start3A_745, %dma_start3A_746] : memref<8x32x128xf32, #tpu.memory_space<vmem>> -> memref<1x32x128xf32, #tpu.memory_space<vmem>>
      %dma_start3A_748 = tpu.memref_squeeze %dma_start3A_747 : memref<1x32x128xf32, #tpu.memory_space<vmem>> -> memref<32x128xf32, #tpu.memory_space<vmem>>
      %dma_start3A_749 = arith.constant 0 : i32
      %dma_start3A_750 = tpu.memref_slice %arg3[%dma_start3A_749, %multiple_of3A_742] : memref<32x1000000xf32, #tpu.memory_space<hbm>> -> memref<32x128xf32, #tpu.memory_space<hbm>>
      %dma_start3A_751 = tpu.memref_slice %arg8[%dma_start3A_744] : memref<8x!tpu.dma_semaphore, #tpu.memory_space<semaphore_mem>> -> memref<1x!tpu.dma_semaphore, #tpu.memory_space<semaphore_mem>>
      %dma_start3A_752 = tpu.memref_squeeze %dma_start3A_751 : memref<1x!tpu.dma_semaphore, #tpu.memory_space<semaphore_mem>> -> memref<!tpu.dma_semaphore, #tpu.memory_space<semaphore_mem>>
      %dma_start3A_753 = arith.constant 0 : i32
      %dma_start3A_754 = arith.constant 0 : i32
      %dma_start3A_755 = tpu.memref_slice %arg6[%dma_start3A_743, %dma_start3A_753, %dma_start3A_754] : memref<8x32x128xf32, #tpu.memory_space<vmem>> -> memref<1x32x128xf32, #tpu.memory_space<vmem>>
      %dma_start3A_756 = tpu.memref_squeeze %dma_start3A_755 : memref<1x32x128xf32, #tpu.memory_space<vmem>> -> memref<32x128xf32, #tpu.memory_space<vmem>>
      %dma_start3A_757 = arith.constant 0 : i32
      %dma_start3A_758 = tpu.memref_slice %arg3[%dma_start3A_757, %multiple_of3A_742] : memref<32x1000000xf32, #tpu.memory_space<hbm>> -> memref<32x128xf32, #tpu.memory_space<hbm>>
      tpu.enqueue_dma source(%dma_start3A_758 : memref<32x128xf32, #tpu.memory_space<hbm>>) target(%dma_start3A_756 : memref<32x128xf32, #tpu.memory_space<vmem>>) target_semaphore(%dma_start3A_752 : memref<!tpu.dma_semaphore, #tpu.memory_space<semaphore_mem>>)
      %dma_wait3A_759 = arith.constant 0 : i32
      %dma_wait3A_760 = arith.constant 0 : i32
      %dma_wait3A_761 = arith.constant 0 : i32
      %dma_wait3A_762 = arith.constant 0 : i32
      %dma_wait3A_763 = tpu.memref_slice %arg6[%dma_wait3A_759, %dma_wait3A_761, %dma_wait3A_762] : memref<8x32x128xf32, #tpu.memory_space<vmem>> -> memref<1x32x128xf32, #tpu.memory_space<vmem>>
      %dma_wait3A_764 = tpu.memref_squeeze %dma_wait3A_763 : memref<1x32x128xf32, #tpu.memory_space<vmem>> -> memref<32x128xf32, #tpu.memory_space<vmem>>
      %dma_wait3A_765 = arith.constant 0 : i32
      %dma_wait3A_766 = arith.constant 0 : i32
      %dma_wait3A_767 = tpu.memref_slice %arg3[%dma_wait3A_765, %dma_wait3A_766] : memref<32x1000000xf32, #tpu.memory_space<hbm>> -> memref<32x128xf32, #tpu.memory_space<hbm>>
      %dma_wait3A_768 = tpu.memref_slice %arg8[%dma_wait3A_760] : memref<8x!tpu.dma_semaphore, #tpu.memory_space<semaphore_mem>> -> memref<1x!tpu.dma_semaphore, #tpu.memory_space<semaphore_mem>>
      %dma_wait3A_769 = tpu.memref_squeeze %dma_wait3A_768 : memref<1x!tpu.dma_semaphore, #tpu.memory_space<semaphore_mem>> -> memref<!tpu.dma_semaphore, #tpu.memory_space<semaphore_mem>>
      %dma_wait3A_770 = arith.constant 0 : i32
      %dma_wait3A_771 = arith.constant 0 : i32
      %dma_wait3A_772 = tpu.memref_slice %arg6[%dma_wait3A_759, %dma_wait3A_770, %dma_wait3A_771] : memref<8x32x128xf32, #tpu.memory_space<vmem>> -> memref<1x32x128xf32, #tpu.memory_space<vmem>>
      %dma_wait3A_773 = tpu.memref_squeeze %dma_wait3A_772 : memref<1x32x128xf32, #tpu.memory_space<vmem>> -> memref<32x128xf32, #tpu.memory_space<vmem>>
      %dma_wait3A_774 = arith.constant 0 : i32
      %dma_wait3A_775 = arith.constant 0 : i32
      %dma_wait3A_776 = tpu.memref_slice %arg3[%dma_wait3A_774, %dma_wait3A_775] : memref<32x1000000xf32, #tpu.memory_space<hbm>> -> memref<32x128xf32, #tpu.memory_space<hbm>>
      tpu.wait_dma2 semaphore(%dma_wait3A_769 : memref<!tpu.dma_semaphore, #tpu.memory_space<semaphore_mem>>) src(%dma_wait3A_776 : memref<32x128xf32, #tpu.memory_space<hbm>>) dst(%dma_wait3A_773 : memref<32x128xf32, #tpu.memory_space<vmem>>)
      %slice3A_777 = vector.extract_strided_slice %get3A_199 {offsets = [8], sizes = [1], strides = [1]} : vector<16xi32> to vector<1xi32>
      %squeeze3A_778 = vector.extract %slice3A_777[0] : i32 from vector<1xi32>
      %and3A_779 = arith.constant 127 : i32
      %and3A_780 = arith.andi %squeeze3A_778, %and3A_779 : i32
      %broadcast_in_dim3A_781 = vector.broadcast %and3A_780 : i32 to vector<16xi32>
      %gather3A_782 = arith.constant 0 : i32
      %gather3A_783 = arith.constant 0 : i32
      %gather3A_784 = arith.constant 0 : i32
      %gather3A_785 = tpu.memref_slice %arg6[%gather3A_782, %gather3A_783, %gather3A_784] : memref<8x32x128xf32, #tpu.memory_space<vmem>> -> memref<1x32x128xf32, #tpu.memory_space<vmem>>
      %gather3A_786 = tpu.memref_squeeze %gather3A_785 : memref<1x32x128xf32, #tpu.memory_space<vmem>> -> memref<32x128xf32, #tpu.memory_space<vmem>>
      %gather3A_787 = tpu.vector_load_idx %gather3A_786[%iota3A, %broadcast_in_dim3A_781] : memref<32x128xf32, #tpu.memory_space<vmem>>[vector<16xi32>, vector<16xi32>], vector<16xf32>,
      %gather3A_788 = arith.constant 0 : i32
      %gather3A_789 = arith.constant 0 : i32
      %gather3A_790 = arith.constant 0 : i32
      %gather3A_791 = tpu.memref_slice %arg6[%gather3A_788, %gather3A_789, %gather3A_790] : memref<8x32x128xf32, #tpu.memory_space<vmem>> -> memref<1x32x128xf32, #tpu.memory_space<vmem>>
      %gather3A_792 = tpu.memref_squeeze %gather3A_791 : memref<1x32x128xf32, #tpu.memory_space<vmem>> -> memref<32x128xf32, #tpu.memory_space<vmem>>
      %gather3A_793 = tpu.vector_load_idx %gather3A_792[%add3A_5, %broadcast_in_dim3A_781] : memref<32x128xf32, #tpu.memory_space<vmem>>[vector<16xi32>, vector<16xi32>], vector<16xf32>,
      %mul3A_794 = arith.constant 16 : i32
      %mul3A_795 = arith.muli %scan3A_193, %mul3A_794 : i32
      %add3A_796 = arith.constant 8 : i32
      %add3A_797 = arith.addi %mul3A_795, %add3A_796 : i32
      %swap3A_798 = arith.index_cast %add3A_797 : i32 to index
      %swap3A_799 = arith.constant 0 : index
      %swap3A_800 = tpu.vector_load %arg7[%swap3A_798, %swap3A_799] {strides = array<i32>} : memref<512x32xf32, #tpu.memory_space<vmem>>, vector<16xf32>,
      tpu.vector_store %arg7[%swap3A_798, %swap3A_799], %gather3A_787 {strides = array<i32>} : memref<512x32xf32, #tpu.memory_space<vmem>>, vector<16xf32>,
      %swap3A_801 = arith.index_cast %add3A_797 : i32 to index
      %swap3A_802 = arith.constant 16 : index
      %swap3A_803 = tpu.vector_load %arg7[%swap3A_801, %swap3A_802] {strides = array<i32>} : memref<512x32xf32, #tpu.memory_space<vmem>>, vector<16xf32>,
      tpu.vector_store %arg7[%swap3A_801, %swap3A_802], %gather3A_793 {strides = array<i32>} : memref<512x32xf32, #tpu.memory_space<vmem>>, vector<16xf32>,
      %not3A = arith.constant true
      %not3A_804 = arith.xori %eq3A_218, %not3A : i1
      %convert_element_type3A = arith.extui %not3A_804 : i1 to i32
      %cond3A = arith.constant 0 : i32
      %cond3A_805 = arith.cmpi ne, %convert_element_type3A, %cond3A : i32
      scf.if %cond3A_805 {
        %slice3A_1156 = vector.extract_strided_slice %get3A_216 {offsets = [0], sizes = [1], strides = [1]} : vector<16xi32> to vector<1xi32>
        %squeeze3A_1157 = vector.extract %slice3A_1156[0] : i32 from vector<1xi32>
        %shift_right_arithmetic3A_1158 = arith.constant 7 : i32
        %shift_right_arithmetic3A_1159 = arith.shrsi %squeeze3A_1157, %shift_right_arithmetic3A_1158 : i32
        %mul3A_1160 = arith.constant 128 : i32
        %mul3A_1161 = arith.muli %shift_right_arithmetic3A_1159, %mul3A_1160 : i32
        %multiple_of3A_1162 = tpu.assume_multiple %mul3A_1161, 128 : i32
        %dma_start3A_1163 = arith.constant 0 : i32
        %dma_start3A_1164 = arith.constant 0 : i32
        %dma_start3A_1165 = arith.constant 0 : i32
        %dma_start3A_1166 = arith.constant 0 : i32
        %dma_start3A_1167 = tpu.memref_slice %arg6[%dma_start3A_1163, %dma_start3A_1165, %dma_start3A_1166] : memref<8x32x128xf32, #tpu.memory_space<vmem>> -> memref<1x32x128xf32, #tpu.memory_space<vmem>>
        %dma_start3A_1168 = tpu.memref_squeeze %dma_start3A_1167 : memref<1x32x128xf32, #tpu.memory_space<vmem>> -> memref<32x128xf32, #tpu.memory_space<vmem>>
        %dma_start3A_1169 = arith.constant 0 : i32
        %dma_start3A_1170 = tpu.memref_slice %arg3[%dma_start3A_1169, %multiple_of3A_1162] : memref<32x1000000xf32, #tpu.memory_space<hbm>> -> memref<32x128xf32, #tpu.memory_space<hbm>>
        %dma_start3A_1171 = tpu.memref_slice %arg8[%dma_start3A_1164] : memref<8x!tpu.dma_semaphore, #tpu.memory_space<semaphore_mem>> -> memref<1x!tpu.dma_semaphore, #tpu.memory_space<semaphore_mem>>
        %dma_start3A_1172 = tpu.memref_squeeze %dma_start3A_1171 : memref<1x!tpu.dma_semaphore, #tpu.memory_space<semaphore_mem>> -> memref<!tpu.dma_semaphore, #tpu.memory_space<semaphore_mem>>
        %dma_start3A_1173 = arith.constant 0 : i32
        %dma_start3A_1174 = arith.constant 0 : i32
        %dma_start3A_1175 = tpu.memref_slice %arg6[%dma_start3A_1163, %dma_start3A_1173, %dma_start3A_1174] : memref<8x32x128xf32, #tpu.memory_space<vmem>> -> memref<1x32x128xf32, #tpu.memory_space<vmem>>
        %dma_start3A_1176 = tpu.memref_squeeze %dma_start3A_1175 : memref<1x32x128xf32, #tpu.memory_space<vmem>> -> memref<32x128xf32, #tpu.memory_space<vmem>>
        %dma_start3A_1177 = arith.constant 0 : i32
        %dma_start3A_1178 = tpu.memref_slice %arg3[%dma_start3A_1177, %multiple_of3A_1162] : memref<32x1000000xf32, #tpu.memory_space<hbm>> -> memref<32x128xf32, #tpu.memory_space<hbm>>
        tpu.enqueue_dma source(%dma_start3A_1178 : memref<32x128xf32, #tpu.memory_space<hbm>>) target(%dma_start3A_1176 : memref<32x128xf32, #tpu.memory_space<vmem>>) target_semaphore(%dma_start3A_1172 : memref<!tpu.dma_semaphore, #tpu.memory_space<semaphore_mem>>)
      } else {
      }
      %dma_wait3A_806 = arith.constant 1 : i32
      %dma_wait3A_807 = arith.constant 1 : i32
      %dma_wait3A_808 = arith.constant 0 : i32
      %dma_wait3A_809 = arith.constant 0 : i32
      %dma_wait3A_810 = tpu.memref_slice %arg6[%dma_wait3A_806, %dma_wait3A_808, %dma_wait3A_809] : memref<8x32x128xf32, #tpu.memory_space<vmem>> -> memref<1x32x128xf32, #tpu.memory_space<vmem>>
      %dma_wait3A_811 = tpu.memref_squeeze %dma_wait3A_810 : memref<1x32x128xf32, #tpu.memory_space<vmem>> -> memref<32x128xf32, #tpu.memory_space<vmem>>
      %dma_wait3A_812 = arith.constant 0 : i32
      %dma_wait3A_813 = arith.constant 0 : i32
      %dma_wait3A_814 = tpu.memref_slice %arg3[%dma_wait3A_812, %dma_wait3A_813] : memref<32x1000000xf32, #tpu.memory_space<hbm>> -> memref<32x128xf32, #tpu.memory_space<hbm>>
      %dma_wait3A_815 = tpu.memref_slice %arg8[%dma_wait3A_807] : memref<8x!tpu.dma_semaphore, #tpu.memory_space<semaphore_mem>> -> memref<1x!tpu.dma_semaphore, #tpu.memory_space<semaphore_mem>>
      %dma_wait3A_816 = tpu.memref_squeeze %dma_wait3A_815 : memref<1x!tpu.dma_semaphore, #tpu.memory_space<semaphore_mem>> -> memref<!tpu.dma_semaphore, #tpu.memory_space<semaphore_mem>>
      %dma_wait3A_817 = arith.constant 0 : i32
      %dma_wait3A_818 = arith.constant 0 : i32
      %dma_wait3A_819 = tpu.memref_slice %arg6[%dma_wait3A_806, %dma_wait3A_817, %dma_wait3A_818] : memref<8x32x128xf32, #tpu.memory_space<vmem>> -> memref<1x32x128xf32, #tpu.memory_space<vmem>>
      %dma_wait3A_820 = tpu.memref_squeeze %dma_wait3A_819 : memref<1x32x128xf32, #tpu.memory_space<vmem>> -> memref<32x128xf32, #tpu.memory_space<vmem>>
      %dma_wait3A_821 = arith.constant 0 : i32
      %dma_wait3A_822 = arith.constant 0 : i32
      %dma_wait3A_823 = tpu.memref_slice %arg3[%dma_wait3A_821, %dma_wait3A_822] : memref<32x1000000xf32, #tpu.memory_space<hbm>> -> memref<32x128xf32, #tpu.memory_space<hbm>>
      tpu.wait_dma2 semaphore(%dma_wait3A_816 : memref<!tpu.dma_semaphore, #tpu.memory_space<semaphore_mem>>) src(%dma_wait3A_823 : memref<32x128xf32, #tpu.memory_space<hbm>>) dst(%dma_wait3A_820 : memref<32x128xf32, #tpu.memory_space<vmem>>)
      %slice3A_824 = vector.extract_strided_slice %get3A_199 {offsets = [9], sizes = [1], strides = [1]} : vector<16xi32> to vector<1xi32>
      %squeeze3A_825 = vector.extract %slice3A_824[0] : i32 from vector<1xi32>
      %and3A_826 = arith.constant 127 : i32
      %and3A_827 = arith.andi %squeeze3A_825, %and3A_826 : i32
      %broadcast_in_dim3A_828 = vector.broadcast %and3A_827 : i32 to vector<16xi32>
      %gather3A_829 = arith.constant 1 : i32
      %gather3A_830 = arith.constant 0 : i32
      %gather3A_831 = arith.constant 0 : i32
      %gather3A_832 = tpu.memref_slice %arg6[%gather3A_829, %gather3A_830, %gather3A_831] : memref<8x32x128xf32, #tpu.memory_space<vmem>> -> memref<1x32x128xf32, #tpu.memory_space<vmem>>
      %gather3A_833 = tpu.memref_squeeze %gather3A_832 : memref<1x32x128xf32, #tpu.memory_space<vmem>> -> memref<32x128xf32, #tpu.memory_space<vmem>>
      %gather3A_834 = tpu.vector_load_idx %gather3A_833[%iota3A, %broadcast_in_dim3A_828] : memref<32x128xf32, #tpu.memory_space<vmem>>[vector<16xi32>, vector<16xi32>], vector<16xf32>,
      %gather3A_835 = arith.constant 1 : i32
      %gather3A_836 = arith.constant 0 : i32
      %gather3A_837 = arith.constant 0 : i32
      %gather3A_838 = tpu.memref_slice %arg6[%gather3A_835, %gather3A_836, %gather3A_837] : memref<8x32x128xf32, #tpu.memory_space<vmem>> -> memref<1x32x128xf32, #tpu.memory_space<vmem>>
      %gather3A_839 = tpu.memref_squeeze %gather3A_838 : memref<1x32x128xf32, #tpu.memory_space<vmem>> -> memref<32x128xf32, #tpu.memory_space<vmem>>
      %gather3A_840 = tpu.vector_load_idx %gather3A_839[%add3A_5, %broadcast_in_dim3A_828] : memref<32x128xf32, #tpu.memory_space<vmem>>[vector<16xi32>, vector<16xi32>], vector<16xf32>,
      %mul3A_841 = arith.constant 16 : i32
      %mul3A_842 = arith.muli %scan3A_193, %mul3A_841 : i32
      %add3A_843 = arith.constant 9 : i32
      %add3A_844 = arith.addi %mul3A_842, %add3A_843 : i32
      %swap3A_845 = arith.index_cast %add3A_844 : i32 to index
      %swap3A_846 = arith.constant 0 : index
      %swap3A_847 = tpu.vector_load %arg7[%swap3A_845, %swap3A_846] {strides = array<i32>} : memref<512x32xf32, #tpu.memory_space<vmem>>, vector<16xf32>,
      tpu.vector_store %arg7[%swap3A_845, %swap3A_846], %gather3A_834 {strides = array<i32>} : memref<512x32xf32, #tpu.memory_space<vmem>>, vector<16xf32>,
      %swap3A_848 = arith.index_cast %add3A_844 : i32 to index
      %swap3A_849 = arith.constant 16 : index
      %swap3A_850 = tpu.vector_load %arg7[%swap3A_848, %swap3A_849] {strides = array<i32>} : memref<512x32xf32, #tpu.memory_space<vmem>>, vector<16xf32>,
      tpu.vector_store %arg7[%swap3A_848, %swap3A_849], %gather3A_840 {strides = array<i32>} : memref<512x32xf32, #tpu.memory_space<vmem>>, vector<16xf32>,
      %not3A_851 = arith.constant true
      %not3A_852 = arith.xori %eq3A_218, %not3A_851 : i1
      %convert_element_type3A_853 = arith.extui %not3A_852 : i1 to i32
      %cond3A_854 = arith.constant 0 : i32
      %cond3A_855 = arith.cmpi ne, %convert_element_type3A_853, %cond3A_854 : i32
      scf.if %cond3A_855 {
        %slice3A_1156 = vector.extract_strided_slice %get3A_216 {offsets = [1], sizes = [1], strides = [1]} : vector<16xi32> to vector<1xi32>
        %squeeze3A_1157 = vector.extract %slice3A_1156[0] : i32 from vector<1xi32>
        %shift_right_arithmetic3A_1158 = arith.constant 7 : i32
        %shift_right_arithmetic3A_1159 = arith.shrsi %squeeze3A_1157, %shift_right_arithmetic3A_1158 : i32
        %mul3A_1160 = arith.constant 128 : i32
        %mul3A_1161 = arith.muli %shift_right_arithmetic3A_1159, %mul3A_1160 : i32
        %multiple_of3A_1162 = tpu.assume_multiple %mul3A_1161, 128 : i32
        %dma_start3A_1163 = arith.constant 1 : i32
        %dma_start3A_1164 = arith.constant 1 : i32
        %dma_start3A_1165 = arith.constant 0 : i32
        %dma_start3A_1166 = arith.constant 0 : i32
        %dma_start3A_1167 = tpu.memref_slice %arg6[%dma_start3A_1163, %dma_start3A_1165, %dma_start3A_1166] : memref<8x32x128xf32, #tpu.memory_space<vmem>> -> memref<1x32x128xf32, #tpu.memory_space<vmem>>
        %dma_start3A_1168 = tpu.memref_squeeze %dma_start3A_1167 : memref<1x32x128xf32, #tpu.memory_space<vmem>> -> memref<32x128xf32, #tpu.memory_space<vmem>>
        %dma_start3A_1169 = arith.constant 0 : i32
        %dma_start3A_1170 = tpu.memref_slice %arg3[%dma_start3A_1169, %multiple_of3A_1162] : memref<32x1000000xf32, #tpu.memory_space<hbm>> -> memref<32x128xf32, #tpu.memory_space<hbm>>
        %dma_start3A_1171 = tpu.memref_slice %arg8[%dma_start3A_1164] : memref<8x!tpu.dma_semaphore, #tpu.memory_space<semaphore_mem>> -> memref<1x!tpu.dma_semaphore, #tpu.memory_space<semaphore_mem>>
        %dma_start3A_1172 = tpu.memref_squeeze %dma_start3A_1171 : memref<1x!tpu.dma_semaphore, #tpu.memory_space<semaphore_mem>> -> memref<!tpu.dma_semaphore, #tpu.memory_space<semaphore_mem>>
        %dma_start3A_1173 = arith.constant 0 : i32
        %dma_start3A_1174 = arith.constant 0 : i32
        %dma_start3A_1175 = tpu.memref_slice %arg6[%dma_start3A_1163, %dma_start3A_1173, %dma_start3A_1174] : memref<8x32x128xf32, #tpu.memory_space<vmem>> -> memref<1x32x128xf32, #tpu.memory_space<vmem>>
        %dma_start3A_1176 = tpu.memref_squeeze %dma_start3A_1175 : memref<1x32x128xf32, #tpu.memory_space<vmem>> -> memref<32x128xf32, #tpu.memory_space<vmem>>
        %dma_start3A_1177 = arith.constant 0 : i32
        %dma_start3A_1178 = tpu.memref_slice %arg3[%dma_start3A_1177, %multiple_of3A_1162] : memref<32x1000000xf32, #tpu.memory_space<hbm>> -> memref<32x128xf32, #tpu.memory_space<hbm>>
        tpu.enqueue_dma source(%dma_start3A_1178 : memref<32x128xf32, #tpu.memory_space<hbm>>) target(%dma_start3A_1176 : memref<32x128xf32, #tpu.memory_space<vmem>>) target_semaphore(%dma_start3A_1172 : memref<!tpu.dma_semaphore, #tpu.memory_space<semaphore_mem>>)
      } else {
      }
      %dma_wait3A_856 = arith.constant 2 : i32
      %dma_wait3A_857 = arith.constant 2 : i32
      %dma_wait3A_858 = arith.constant 0 : i32
      %dma_wait3A_859 = arith.constant 0 : i32
      %dma_wait3A_860 = tpu.memref_slice %arg6[%dma_wait3A_856, %dma_wait3A_858, %dma_wait3A_859] : memref<8x32x128xf32, #tpu.memory_space<vmem>> -> memref<1x32x128xf32, #tpu.memory_space<vmem>>
      %dma_wait3A_861 = tpu.memref_squeeze %dma_wait3A_860 : memref<1x32x128xf32, #tpu.memory_space<vmem>> -> memref<32x128xf32, #tpu.memory_space<vmem>>
      %dma_wait3A_862 = arith.constant 0 : i32
      %dma_wait3A_863 = arith.constant 0 : i32
      %dma_wait3A_864 = tpu.memref_slice %arg3[%dma_wait3A_862, %dma_wait3A_863] : memref<32x1000000xf32, #tpu.memory_space<hbm>> -> memref<32x128xf32, #tpu.memory_space<hbm>>
      %dma_wait3A_865 = tpu.memref_slice %arg8[%dma_wait3A_857] : memref<8x!tpu.dma_semaphore, #tpu.memory_space<semaphore_mem>> -> memref<1x!tpu.dma_semaphore, #tpu.memory_space<semaphore_mem>>
      %dma_wait3A_866 = tpu.memref_squeeze %dma_wait3A_865 : memref<1x!tpu.dma_semaphore, #tpu.memory_space<semaphore_mem>> -> memref<!tpu.dma_semaphore, #tpu.memory_space<semaphore_mem>>
      %dma_wait3A_867 = arith.constant 0 : i32
      %dma_wait3A_868 = arith.constant 0 : i32
      %dma_wait3A_869 = tpu.memref_slice %arg6[%dma_wait3A_856, %dma_wait3A_867, %dma_wait3A_868] : memref<8x32x128xf32, #tpu.memory_space<vmem>> -> memref<1x32x128xf32, #tpu.memory_space<vmem>>
      %dma_wait3A_870 = tpu.memref_squeeze %dma_wait3A_869 : memref<1x32x128xf32, #tpu.memory_space<vmem>> -> memref<32x128xf32, #tpu.memory_space<vmem>>
      %dma_wait3A_871 = arith.constant 0 : i32
      %dma_wait3A_872 = arith.constant 0 : i32
      %dma_wait3A_873 = tpu.memref_slice %arg3[%dma_wait3A_871, %dma_wait3A_872] : memref<32x1000000xf32, #tpu.memory_space<hbm>> -> memref<32x128xf32, #tpu.memory_space<hbm>>
      tpu.wait_dma2 semaphore(%dma_wait3A_866 : memref<!tpu.dma_semaphore, #tpu.memory_space<semaphore_mem>>) src(%dma_wait3A_873 : memref<32x128xf32, #tpu.memory_space<hbm>>) dst(%dma_wait3A_870 : memref<32x128xf32, #tpu.memory_space<vmem>>)
      %slice3A_874 = vector.extract_strided_slice %get3A_199 {offsets = [10], sizes = [1], strides = [1]} : vector<16xi32> to vector<1xi32>
      %squeeze3A_875 = vector.extract %slice3A_874[0] : i32 from vector<1xi32>
      %and3A_876 = arith.constant 127 : i32
      %and3A_877 = arith.andi %squeeze3A_875, %and3A_876 : i32
      %broadcast_in_dim3A_878 = vector.broadcast %and3A_877 : i32 to vector<16xi32>
      %gather3A_879 = arith.constant 2 : i32
      %gather3A_880 = arith.constant 0 : i32
      %gather3A_881 = arith.constant 0 : i32
      %gather3A_882 = tpu.memref_slice %arg6[%gather3A_879, %gather3A_880, %gather3A_881] : memref<8x32x128xf32, #tpu.memory_space<vmem>> -> memref<1x32x128xf32, #tpu.memory_space<vmem>>
      %gather3A_883 = tpu.memref_squeeze %gather3A_882 : memref<1x32x128xf32, #tpu.memory_space<vmem>> -> memref<32x128xf32, #tpu.memory_space<vmem>>
      %gather3A_884 = tpu.vector_load_idx %gather3A_883[%iota3A, %broadcast_in_dim3A_878] : memref<32x128xf32, #tpu.memory_space<vmem>>[vector<16xi32>, vector<16xi32>], vector<16xf32>,
      %gather3A_885 = arith.constant 2 : i32
      %gather3A_886 = arith.constant 0 : i32
      %gather3A_887 = arith.constant 0 : i32
      %gather3A_888 = tpu.memref_slice %arg6[%gather3A_885, %gather3A_886, %gather3A_887] : memref<8x32x128xf32, #tpu.memory_space<vmem>> -> memref<1x32x128xf32, #tpu.memory_space<vmem>>
      %gather3A_889 = tpu.memref_squeeze %gather3A_888 : memref<1x32x128xf32, #tpu.memory_space<vmem>> -> memref<32x128xf32, #tpu.memory_space<vmem>>
      %gather3A_890 = tpu.vector_load_idx %gather3A_889[%add3A_5, %broadcast_in_dim3A_878] : memref<32x128xf32, #tpu.memory_space<vmem>>[vector<16xi32>, vector<16xi32>], vector<16xf32>,
      %mul3A_891 = arith.constant 16 : i32
      %mul3A_892 = arith.muli %scan3A_193, %mul3A_891 : i32
      %add3A_893 = arith.constant 10 : i32
      %add3A_894 = arith.addi %mul3A_892, %add3A_893 : i32
      %swap3A_895 = arith.index_cast %add3A_894 : i32 to index
      %swap3A_896 = arith.constant 0 : index
      %swap3A_897 = tpu.vector_load %arg7[%swap3A_895, %swap3A_896] {strides = array<i32>} : memref<512x32xf32, #tpu.memory_space<vmem>>, vector<16xf32>,
      tpu.vector_store %arg7[%swap3A_895, %swap3A_896], %gather3A_884 {strides = array<i32>} : memref<512x32xf32, #tpu.memory_space<vmem>>, vector<16xf32>,
      %swap3A_898 = arith.index_cast %add3A_894 : i32 to index
      %swap3A_899 = arith.constant 16 : index
      %swap3A_900 = tpu.vector_load %arg7[%swap3A_898, %swap3A_899] {strides = array<i32>} : memref<512x32xf32, #tpu.memory_space<vmem>>, vector<16xf32>,
      tpu.vector_store %arg7[%swap3A_898, %swap3A_899], %gather3A_890 {strides = array<i32>} : memref<512x32xf32, #tpu.memory_space<vmem>>, vector<16xf32>,
      %not3A_901 = arith.constant true
      %not3A_902 = arith.xori %eq3A_218, %not3A_901 : i1
      %convert_element_type3A_903 = arith.extui %not3A_902 : i1 to i32
      %cond3A_904 = arith.constant 0 : i32
      %cond3A_905 = arith.cmpi ne, %convert_element_type3A_903, %cond3A_904 : i32
      scf.if %cond3A_905 {
        %slice3A_1156 = vector.extract_strided_slice %get3A_216 {offsets = [2], sizes = [1], strides = [1]} : vector<16xi32> to vector<1xi32>
        %squeeze3A_1157 = vector.extract %slice3A_1156[0] : i32 from vector<1xi32>
        %shift_right_arithmetic3A_1158 = arith.constant 7 : i32
        %shift_right_arithmetic3A_1159 = arith.shrsi %squeeze3A_1157, %shift_right_arithmetic3A_1158 : i32
        %mul3A_1160 = arith.constant 128 : i32
        %mul3A_1161 = arith.muli %shift_right_arithmetic3A_1159, %mul3A_1160 : i32
        %multiple_of3A_1162 = tpu.assume_multiple %mul3A_1161, 128 : i32
        %dma_start3A_1163 = arith.constant 2 : i32
        %dma_start3A_1164 = arith.constant 2 : i32
        %dma_start3A_1165 = arith.constant 0 : i32
        %dma_start3A_1166 = arith.constant 0 : i32
        %dma_start3A_1167 = tpu.memref_slice %arg6[%dma_start3A_1163, %dma_start3A_1165, %dma_start3A_1166] : memref<8x32x128xf32, #tpu.memory_space<vmem>> -> memref<1x32x128xf32, #tpu.memory_space<vmem>>
        %dma_start3A_1168 = tpu.memref_squeeze %dma_start3A_1167 : memref<1x32x128xf32, #tpu.memory_space<vmem>> -> memref<32x128xf32, #tpu.memory_space<vmem>>
        %dma_start3A_1169 = arith.constant 0 : i32
        %dma_start3A_1170 = tpu.memref_slice %arg3[%dma_start3A_1169, %multiple_of3A_1162] : memref<32x1000000xf32, #tpu.memory_space<hbm>> -> memref<32x128xf32, #tpu.memory_space<hbm>>
        %dma_start3A_1171 = tpu.memref_slice %arg8[%dma_start3A_1164] : memref<8x!tpu.dma_semaphore, #tpu.memory_space<semaphore_mem>> -> memref<1x!tpu.dma_semaphore, #tpu.memory_space<semaphore_mem>>
        %dma_start3A_1172 = tpu.memref_squeeze %dma_start3A_1171 : memref<1x!tpu.dma_semaphore, #tpu.memory_space<semaphore_mem>> -> memref<!tpu.dma_semaphore, #tpu.memory_space<semaphore_mem>>
        %dma_start3A_1173 = arith.constant 0 : i32
        %dma_start3A_1174 = arith.constant 0 : i32
        %dma_start3A_1175 = tpu.memref_slice %arg6[%dma_start3A_1163, %dma_start3A_1173, %dma_start3A_1174] : memref<8x32x128xf32, #tpu.memory_space<vmem>> -> memref<1x32x128xf32, #tpu.memory_space<vmem>>
        %dma_start3A_1176 = tpu.memref_squeeze %dma_start3A_1175 : memref<1x32x128xf32, #tpu.memory_space<vmem>> -> memref<32x128xf32, #tpu.memory_space<vmem>>
        %dma_start3A_1177 = arith.constant 0 : i32
        %dma_start3A_1178 = tpu.memref_slice %arg3[%dma_start3A_1177, %multiple_of3A_1162] : memref<32x1000000xf32, #tpu.memory_space<hbm>> -> memref<32x128xf32, #tpu.memory_space<hbm>>
        tpu.enqueue_dma source(%dma_start3A_1178 : memref<32x128xf32, #tpu.memory_space<hbm>>) target(%dma_start3A_1176 : memref<32x128xf32, #tpu.memory_space<vmem>>) target_semaphore(%dma_start3A_1172 : memref<!tpu.dma_semaphore, #tpu.memory_space<semaphore_mem>>)
      } else {
      }
      %dma_wait3A_906 = arith.constant 3 : i32
      %dma_wait3A_907 = arith.constant 3 : i32
      %dma_wait3A_908 = arith.constant 0 : i32
      %dma_wait3A_909 = arith.constant 0 : i32
      %dma_wait3A_910 = tpu.memref_slice %arg6[%dma_wait3A_906, %dma_wait3A_908, %dma_wait3A_909] : memref<8x32x128xf32, #tpu.memory_space<vmem>> -> memref<1x32x128xf32, #tpu.memory_space<vmem>>
      %dma_wait3A_911 = tpu.memref_squeeze %dma_wait3A_910 : memref<1x32x128xf32, #tpu.memory_space<vmem>> -> memref<32x128xf32, #tpu.memory_space<vmem>>
      %dma_wait3A_912 = arith.constant 0 : i32
      %dma_wait3A_913 = arith.constant 0 : i32
      %dma_wait3A_914 = tpu.memref_slice %arg3[%dma_wait3A_912, %dma_wait3A_913] : memref<32x1000000xf32, #tpu.memory_space<hbm>> -> memref<32x128xf32, #tpu.memory_space<hbm>>
      %dma_wait3A_915 = tpu.memref_slice %arg8[%dma_wait3A_907] : memref<8x!tpu.dma_semaphore, #tpu.memory_space<semaphore_mem>> -> memref<1x!tpu.dma_semaphore, #tpu.memory_space<semaphore_mem>>
      %dma_wait3A_916 = tpu.memref_squeeze %dma_wait3A_915 : memref<1x!tpu.dma_semaphore, #tpu.memory_space<semaphore_mem>> -> memref<!tpu.dma_semaphore, #tpu.memory_space<semaphore_mem>>
      %dma_wait3A_917 = arith.constant 0 : i32
      %dma_wait3A_918 = arith.constant 0 : i32
      %dma_wait3A_919 = tpu.memref_slice %arg6[%dma_wait3A_906, %dma_wait3A_917, %dma_wait3A_918] : memref<8x32x128xf32, #tpu.memory_space<vmem>> -> memref<1x32x128xf32, #tpu.memory_space<vmem>>
      %dma_wait3A_920 = tpu.memref_squeeze %dma_wait3A_919 : memref<1x32x128xf32, #tpu.memory_space<vmem>> -> memref<32x128xf32, #tpu.memory_space<vmem>>
      %dma_wait3A_921 = arith.constant 0 : i32
      %dma_wait3A_922 = arith.constant 0 : i32
      %dma_wait3A_923 = tpu.memref_slice %arg3[%dma_wait3A_921, %dma_wait3A_922] : memref<32x1000000xf32, #tpu.memory_space<hbm>> -> memref<32x128xf32, #tpu.memory_space<hbm>>
      tpu.wait_dma2 semaphore(%dma_wait3A_916 : memref<!tpu.dma_semaphore, #tpu.memory_space<semaphore_mem>>) src(%dma_wait3A_923 : memref<32x128xf32, #tpu.memory_space<hbm>>) dst(%dma_wait3A_920 : memref<32x128xf32, #tpu.memory_space<vmem>>)
      %slice3A_924 = vector.extract_strided_slice %get3A_199 {offsets = [11], sizes = [1], strides = [1]} : vector<16xi32> to vector<1xi32>
      %squeeze3A_925 = vector.extract %slice3A_924[0] : i32 from vector<1xi32>
      %and3A_926 = arith.constant 127 : i32
      %and3A_927 = arith.andi %squeeze3A_925, %and3A_926 : i32
      %broadcast_in_dim3A_928 = vector.broadcast %and3A_927 : i32 to vector<16xi32>
      %gather3A_929 = arith.constant 3 : i32
      %gather3A_930 = arith.constant 0 : i32
      %gather3A_931 = arith.constant 0 : i32
      %gather3A_932 = tpu.memref_slice %arg6[%gather3A_929, %gather3A_930, %gather3A_931] : memref<8x32x128xf32, #tpu.memory_space<vmem>> -> memref<1x32x128xf32, #tpu.memory_space<vmem>>
      %gather3A_933 = tpu.memref_squeeze %gather3A_932 : memref<1x32x128xf32, #tpu.memory_space<vmem>> -> memref<32x128xf32, #tpu.memory_space<vmem>>
      %gather3A_934 = tpu.vector_load_idx %gather3A_933[%iota3A, %broadcast_in_dim3A_928] : memref<32x128xf32, #tpu.memory_space<vmem>>[vector<16xi32>, vector<16xi32>], vector<16xf32>,
      %gather3A_935 = arith.constant 3 : i32
      %gather3A_936 = arith.constant 0 : i32
      %gather3A_937 = arith.constant 0 : i32
      %gather3A_938 = tpu.memref_slice %arg6[%gather3A_935, %gather3A_936, %gather3A_937] : memref<8x32x128xf32, #tpu.memory_space<vmem>> -> memref<1x32x128xf32, #tpu.memory_space<vmem>>
      %gather3A_939 = tpu.memref_squeeze %gather3A_938 : memref<1x32x128xf32, #tpu.memory_space<vmem>> -> memref<32x128xf32, #tpu.memory_space<vmem>>
      %gather3A_940 = tpu.vector_load_idx %gather3A_939[%add3A_5, %broadcast_in_dim3A_928] : memref<32x128xf32, #tpu.memory_space<vmem>>[vector<16xi32>, vector<16xi32>], vector<16xf32>,
      %mul3A_941 = arith.constant 16 : i32
      %mul3A_942 = arith.muli %scan3A_193, %mul3A_941 : i32
      %add3A_943 = arith.constant 11 : i32
      %add3A_944 = arith.addi %mul3A_942, %add3A_943 : i32
      %swap3A_945 = arith.index_cast %add3A_944 : i32 to index
      %swap3A_946 = arith.constant 0 : index
      %swap3A_947 = tpu.vector_load %arg7[%swap3A_945, %swap3A_946] {strides = array<i32>} : memref<512x32xf32, #tpu.memory_space<vmem>>, vector<16xf32>,
      tpu.vector_store %arg7[%swap3A_945, %swap3A_946], %gather3A_934 {strides = array<i32>} : memref<512x32xf32, #tpu.memory_space<vmem>>, vector<16xf32>,
      %swap3A_948 = arith.index_cast %add3A_944 : i32 to index
      %swap3A_949 = arith.constant 16 : index
      %swap3A_950 = tpu.vector_load %arg7[%swap3A_948, %swap3A_949] {strides = array<i32>} : memref<512x32xf32, #tpu.memory_space<vmem>>, vector<16xf32>,
      tpu.vector_store %arg7[%swap3A_948, %swap3A_949], %gather3A_940 {strides = array<i32>} : memref<512x32xf32, #tpu.memory_space<vmem>>, vector<16xf32>,
      %not3A_951 = arith.constant true
      %not3A_952 = arith.xori %eq3A_218, %not3A_951 : i1
      %convert_element_type3A_953 = arith.extui %not3A_952 : i1 to i32
      %cond3A_954 = arith.constant 0 : i32
      %cond3A_955 = arith.cmpi ne, %convert_element_type3A_953, %cond3A_954 : i32
      scf.if %cond3A_955 {
        %slice3A_1156 = vector.extract_strided_slice %get3A_216 {offsets = [3], sizes = [1], strides = [1]} : vector<16xi32> to vector<1xi32>
        %squeeze3A_1157 = vector.extract %slice3A_1156[0] : i32 from vector<1xi32>
        %shift_right_arithmetic3A_1158 = arith.constant 7 : i32
        %shift_right_arithmetic3A_1159 = arith.shrsi %squeeze3A_1157, %shift_right_arithmetic3A_1158 : i32
        %mul3A_1160 = arith.constant 128 : i32
        %mul3A_1161 = arith.muli %shift_right_arithmetic3A_1159, %mul3A_1160 : i32
        %multiple_of3A_1162 = tpu.assume_multiple %mul3A_1161, 128 : i32
        %dma_start3A_1163 = arith.constant 3 : i32
        %dma_start3A_1164 = arith.constant 3 : i32
        %dma_start3A_1165 = arith.constant 0 : i32
        %dma_start3A_1166 = arith.constant 0 : i32
        %dma_start3A_1167 = tpu.memref_slice %arg6[%dma_start3A_1163, %dma_start3A_1165, %dma_start3A_1166] : memref<8x32x128xf32, #tpu.memory_space<vmem>> -> memref<1x32x128xf32, #tpu.memory_space<vmem>>
        %dma_start3A_1168 = tpu.memref_squeeze %dma_start3A_1167 : memref<1x32x128xf32, #tpu.memory_space<vmem>> -> memref<32x128xf32, #tpu.memory_space<vmem>>
        %dma_start3A_1169 = arith.constant 0 : i32
        %dma_start3A_1170 = tpu.memref_slice %arg3[%dma_start3A_1169, %multiple_of3A_1162] : memref<32x1000000xf32, #tpu.memory_space<hbm>> -> memref<32x128xf32, #tpu.memory_space<hbm>>
        %dma_start3A_1171 = tpu.memref_slice %arg8[%dma_start3A_1164] : memref<8x!tpu.dma_semaphore, #tpu.memory_space<semaphore_mem>> -> memref<1x!tpu.dma_semaphore, #tpu.memory_space<semaphore_mem>>
        %dma_start3A_1172 = tpu.memref_squeeze %dma_start3A_1171 : memref<1x!tpu.dma_semaphore, #tpu.memory_space<semaphore_mem>> -> memref<!tpu.dma_semaphore, #tpu.memory_space<semaphore_mem>>
        %dma_start3A_1173 = arith.constant 0 : i32
        %dma_start3A_1174 = arith.constant 0 : i32
        %dma_start3A_1175 = tpu.memref_slice %arg6[%dma_start3A_1163, %dma_start3A_1173, %dma_start3A_1174] : memref<8x32x128xf32, #tpu.memory_space<vmem>> -> memref<1x32x128xf32, #tpu.memory_space<vmem>>
        %dma_start3A_1176 = tpu.memref_squeeze %dma_start3A_1175 : memref<1x32x128xf32, #tpu.memory_space<vmem>> -> memref<32x128xf32, #tpu.memory_space<vmem>>
        %dma_start3A_1177 = arith.constant 0 : i32
        %dma_start3A_1178 = tpu.memref_slice %arg3[%dma_start3A_1177, %multiple_of3A_1162] : memref<32x1000000xf32, #tpu.memory_space<hbm>> -> memref<32x128xf32, #tpu.memory_space<hbm>>
        tpu.enqueue_dma source(%dma_start3A_1178 : memref<32x128xf32, #tpu.memory_space<hbm>>) target(%dma_start3A_1176 : memref<32x128xf32, #tpu.memory_space<vmem>>) target_semaphore(%dma_start3A_1172 : memref<!tpu.dma_semaphore, #tpu.memory_space<semaphore_mem>>)
      } else {
      }
      %dma_wait3A_956 = arith.constant 4 : i32
      %dma_wait3A_957 = arith.constant 4 : i32
      %dma_wait3A_958 = arith.constant 0 : i32
      %dma_wait3A_959 = arith.constant 0 : i32
      %dma_wait3A_960 = tpu.memref_slice %arg6[%dma_wait3A_956, %dma_wait3A_958, %dma_wait3A_959] : memref<8x32x128xf32, #tpu.memory_space<vmem>> -> memref<1x32x128xf32, #tpu.memory_space<vmem>>
      %dma_wait3A_961 = tpu.memref_squeeze %dma_wait3A_960 : memref<1x32x128xf32, #tpu.memory_space<vmem>> -> memref<32x128xf32, #tpu.memory_space<vmem>>
      %dma_wait3A_962 = arith.constant 0 : i32
      %dma_wait3A_963 = arith.constant 0 : i32
      %dma_wait3A_964 = tpu.memref_slice %arg3[%dma_wait3A_962, %dma_wait3A_963] : memref<32x1000000xf32, #tpu.memory_space<hbm>> -> memref<32x128xf32, #tpu.memory_space<hbm>>
      %dma_wait3A_965 = tpu.memref_slice %arg8[%dma_wait3A_957] : memref<8x!tpu.dma_semaphore, #tpu.memory_space<semaphore_mem>> -> memref<1x!tpu.dma_semaphore, #tpu.memory_space<semaphore_mem>>
      %dma_wait3A_966 = tpu.memref_squeeze %dma_wait3A_965 : memref<1x!tpu.dma_semaphore, #tpu.memory_space<semaphore_mem>> -> memref<!tpu.dma_semaphore, #tpu.memory_space<semaphore_mem>>
      %dma_wait3A_967 = arith.constant 0 : i32
      %dma_wait3A_968 = arith.constant 0 : i32
      %dma_wait3A_969 = tpu.memref_slice %arg6[%dma_wait3A_956, %dma_wait3A_967, %dma_wait3A_968] : memref<8x32x128xf32, #tpu.memory_space<vmem>> -> memref<1x32x128xf32, #tpu.memory_space<vmem>>
      %dma_wait3A_970 = tpu.memref_squeeze %dma_wait3A_969 : memref<1x32x128xf32, #tpu.memory_space<vmem>> -> memref<32x128xf32, #tpu.memory_space<vmem>>
      %dma_wait3A_971 = arith.constant 0 : i32
      %dma_wait3A_972 = arith.constant 0 : i32
      %dma_wait3A_973 = tpu.memref_slice %arg3[%dma_wait3A_971, %dma_wait3A_972] : memref<32x1000000xf32, #tpu.memory_space<hbm>> -> memref<32x128xf32, #tpu.memory_space<hbm>>
      tpu.wait_dma2 semaphore(%dma_wait3A_966 : memref<!tpu.dma_semaphore, #tpu.memory_space<semaphore_mem>>) src(%dma_wait3A_973 : memref<32x128xf32, #tpu.memory_space<hbm>>) dst(%dma_wait3A_970 : memref<32x128xf32, #tpu.memory_space<vmem>>)
      %slice3A_974 = vector.extract_strided_slice %get3A_199 {offsets = [12], sizes = [1], strides = [1]} : vector<16xi32> to vector<1xi32>
      %squeeze3A_975 = vector.extract %slice3A_974[0] : i32 from vector<1xi32>
      %and3A_976 = arith.constant 127 : i32
      %and3A_977 = arith.andi %squeeze3A_975, %and3A_976 : i32
      %broadcast_in_dim3A_978 = vector.broadcast %and3A_977 : i32 to vector<16xi32>
      %gather3A_979 = arith.constant 4 : i32
      %gather3A_980 = arith.constant 0 : i32
      %gather3A_981 = arith.constant 0 : i32
      %gather3A_982 = tpu.memref_slice %arg6[%gather3A_979, %gather3A_980, %gather3A_981] : memref<8x32x128xf32, #tpu.memory_space<vmem>> -> memref<1x32x128xf32, #tpu.memory_space<vmem>>
      %gather3A_983 = tpu.memref_squeeze %gather3A_982 : memref<1x32x128xf32, #tpu.memory_space<vmem>> -> memref<32x128xf32, #tpu.memory_space<vmem>>
      %gather3A_984 = tpu.vector_load_idx %gather3A_983[%iota3A, %broadcast_in_dim3A_978] : memref<32x128xf32, #tpu.memory_space<vmem>>[vector<16xi32>, vector<16xi32>], vector<16xf32>,
      %gather3A_985 = arith.constant 4 : i32
      %gather3A_986 = arith.constant 0 : i32
      %gather3A_987 = arith.constant 0 : i32
      %gather3A_988 = tpu.memref_slice %arg6[%gather3A_985, %gather3A_986, %gather3A_987] : memref<8x32x128xf32, #tpu.memory_space<vmem>> -> memref<1x32x128xf32, #tpu.memory_space<vmem>>
      %gather3A_989 = tpu.memref_squeeze %gather3A_988 : memref<1x32x128xf32, #tpu.memory_space<vmem>> -> memref<32x128xf32, #tpu.memory_space<vmem>>
      %gather3A_990 = tpu.vector_load_idx %gather3A_989[%add3A_5, %broadcast_in_dim3A_978] : memref<32x128xf32, #tpu.memory_space<vmem>>[vector<16xi32>, vector<16xi32>], vector<16xf32>,
      %mul3A_991 = arith.constant 16 : i32
      %mul3A_992 = arith.muli %scan3A_193, %mul3A_991 : i32
      %add3A_993 = arith.constant 12 : i32
      %add3A_994 = arith.addi %mul3A_992, %add3A_993 : i32
      %swap3A_995 = arith.index_cast %add3A_994 : i32 to index
      %swap3A_996 = arith.constant 0 : index
      %swap3A_997 = tpu.vector_load %arg7[%swap3A_995, %swap3A_996] {strides = array<i32>} : memref<512x32xf32, #tpu.memory_space<vmem>>, vector<16xf32>,
      tpu.vector_store %arg7[%swap3A_995, %swap3A_996], %gather3A_984 {strides = array<i32>} : memref<512x32xf32, #tpu.memory_space<vmem>>, vector<16xf32>,
      %swap3A_998 = arith.index_cast %add3A_994 : i32 to index
      %swap3A_999 = arith.constant 16 : index
      %swap3A_1000 = tpu.vector_load %arg7[%swap3A_998, %swap3A_999] {strides = array<i32>} : memref<512x32xf32, #tpu.memory_space<vmem>>, vector<16xf32>,
      tpu.vector_store %arg7[%swap3A_998, %swap3A_999], %gather3A_990 {strides = array<i32>} : memref<512x32xf32, #tpu.memory_space<vmem>>, vector<16xf32>,
      %not3A_1001 = arith.constant true
      %not3A_1002 = arith.xori %eq3A_218, %not3A_1001 : i1
      %convert_element_type3A_1003 = arith.extui %not3A_1002 : i1 to i32
      %cond3A_1004 = arith.constant 0 : i32
      %cond3A_1005 = arith.cmpi ne, %convert_element_type3A_1003, %cond3A_1004 : i32
      scf.if %cond3A_1005 {
        %slice3A_1156 = vector.extract_strided_slice %get3A_216 {offsets = [4], sizes = [1], strides = [1]} : vector<16xi32> to vector<1xi32>
        %squeeze3A_1157 = vector.extract %slice3A_1156[0] : i32 from vector<1xi32>
        %shift_right_arithmetic3A_1158 = arith.constant 7 : i32
        %shift_right_arithmetic3A_1159 = arith.shrsi %squeeze3A_1157, %shift_right_arithmetic3A_1158 : i32
        %mul3A_1160 = arith.constant 128 : i32
        %mul3A_1161 = arith.muli %shift_right_arithmetic3A_1159, %mul3A_1160 : i32
        %multiple_of3A_1162 = tpu.assume_multiple %mul3A_1161, 128 : i32
        %dma_start3A_1163 = arith.constant 4 : i32
        %dma_start3A_1164 = arith.constant 4 : i32
        %dma_start3A_1165 = arith.constant 0 : i32
        %dma_start3A_1166 = arith.constant 0 : i32
        %dma_start3A_1167 = tpu.memref_slice %arg6[%dma_start3A_1163, %dma_start3A_1165, %dma_start3A_1166] : memref<8x32x128xf32, #tpu.memory_space<vmem>> -> memref<1x32x128xf32, #tpu.memory_space<vmem>>
        %dma_start3A_1168 = tpu.memref_squeeze %dma_start3A_1167 : memref<1x32x128xf32, #tpu.memory_space<vmem>> -> memref<32x128xf32, #tpu.memory_space<vmem>>
        %dma_start3A_1169 = arith.constant 0 : i32
        %dma_start3A_1170 = tpu.memref_slice %arg3[%dma_start3A_1169, %multiple_of3A_1162] : memref<32x1000000xf32, #tpu.memory_space<hbm>> -> memref<32x128xf32, #tpu.memory_space<hbm>>
        %dma_start3A_1171 = tpu.memref_slice %arg8[%dma_start3A_1164] : memref<8x!tpu.dma_semaphore, #tpu.memory_space<semaphore_mem>> -> memref<1x!tpu.dma_semaphore, #tpu.memory_space<semaphore_mem>>
        %dma_start3A_1172 = tpu.memref_squeeze %dma_start3A_1171 : memref<1x!tpu.dma_semaphore, #tpu.memory_space<semaphore_mem>> -> memref<!tpu.dma_semaphore, #tpu.memory_space<semaphore_mem>>
        %dma_start3A_1173 = arith.constant 0 : i32
        %dma_start3A_1174 = arith.constant 0 : i32
        %dma_start3A_1175 = tpu.memref_slice %arg6[%dma_start3A_1163, %dma_start3A_1173, %dma_start3A_1174] : memref<8x32x128xf32, #tpu.memory_space<vmem>> -> memref<1x32x128xf32, #tpu.memory_space<vmem>>
        %dma_start3A_1176 = tpu.memref_squeeze %dma_start3A_1175 : memref<1x32x128xf32, #tpu.memory_space<vmem>> -> memref<32x128xf32, #tpu.memory_space<vmem>>
        %dma_start3A_1177 = arith.constant 0 : i32
        %dma_start3A_1178 = tpu.memref_slice %arg3[%dma_start3A_1177, %multiple_of3A_1162] : memref<32x1000000xf32, #tpu.memory_space<hbm>> -> memref<32x128xf32, #tpu.memory_space<hbm>>
        tpu.enqueue_dma source(%dma_start3A_1178 : memref<32x128xf32, #tpu.memory_space<hbm>>) target(%dma_start3A_1176 : memref<32x128xf32, #tpu.memory_space<vmem>>) target_semaphore(%dma_start3A_1172 : memref<!tpu.dma_semaphore, #tpu.memory_space<semaphore_mem>>)
      } else {
      }
      %dma_wait3A_1006 = arith.constant 5 : i32
      %dma_wait3A_1007 = arith.constant 5 : i32
      %dma_wait3A_1008 = arith.constant 0 : i32
      %dma_wait3A_1009 = arith.constant 0 : i32
      %dma_wait3A_1010 = tpu.memref_slice %arg6[%dma_wait3A_1006, %dma_wait3A_1008, %dma_wait3A_1009] : memref<8x32x128xf32, #tpu.memory_space<vmem>> -> memref<1x32x128xf32, #tpu.memory_space<vmem>>
      %dma_wait3A_1011 = tpu.memref_squeeze %dma_wait3A_1010 : memref<1x32x128xf32, #tpu.memory_space<vmem>> -> memref<32x128xf32, #tpu.memory_space<vmem>>
      %dma_wait3A_1012 = arith.constant 0 : i32
      %dma_wait3A_1013 = arith.constant 0 : i32
      %dma_wait3A_1014 = tpu.memref_slice %arg3[%dma_wait3A_1012, %dma_wait3A_1013] : memref<32x1000000xf32, #tpu.memory_space<hbm>> -> memref<32x128xf32, #tpu.memory_space<hbm>>
      %dma_wait3A_1015 = tpu.memref_slice %arg8[%dma_wait3A_1007] : memref<8x!tpu.dma_semaphore, #tpu.memory_space<semaphore_mem>> -> memref<1x!tpu.dma_semaphore, #tpu.memory_space<semaphore_mem>>
      %dma_wait3A_1016 = tpu.memref_squeeze %dma_wait3A_1015 : memref<1x!tpu.dma_semaphore, #tpu.memory_space<semaphore_mem>> -> memref<!tpu.dma_semaphore, #tpu.memory_space<semaphore_mem>>
      %dma_wait3A_1017 = arith.constant 0 : i32
      %dma_wait3A_1018 = arith.constant 0 : i32
      %dma_wait3A_1019 = tpu.memref_slice %arg6[%dma_wait3A_1006, %dma_wait3A_1017, %dma_wait3A_1018] : memref<8x32x128xf32, #tpu.memory_space<vmem>> -> memref<1x32x128xf32, #tpu.memory_space<vmem>>
      %dma_wait3A_1020 = tpu.memref_squeeze %dma_wait3A_1019 : memref<1x32x128xf32, #tpu.memory_space<vmem>> -> memref<32x128xf32, #tpu.memory_space<vmem>>
      %dma_wait3A_1021 = arith.constant 0 : i32
      %dma_wait3A_1022 = arith.constant 0 : i32
      %dma_wait3A_1023 = tpu.memref_slice %arg3[%dma_wait3A_1021, %dma_wait3A_1022] : memref<32x1000000xf32, #tpu.memory_space<hbm>> -> memref<32x128xf32, #tpu.memory_space<hbm>>
      tpu.wait_dma2 semaphore(%dma_wait3A_1016 : memref<!tpu.dma_semaphore, #tpu.memory_space<semaphore_mem>>) src(%dma_wait3A_1023 : memref<32x128xf32, #tpu.memory_space<hbm>>) dst(%dma_wait3A_1020 : memref<32x128xf32, #tpu.memory_space<vmem>>)
      %slice3A_1024 = vector.extract_strided_slice %get3A_199 {offsets = [13], sizes = [1], strides = [1]} : vector<16xi32> to vector<1xi32>
      %squeeze3A_1025 = vector.extract %slice3A_1024[0] : i32 from vector<1xi32>
      %and3A_1026 = arith.constant 127 : i32
      %and3A_1027 = arith.andi %squeeze3A_1025, %and3A_1026 : i32
      %broadcast_in_dim3A_1028 = vector.broadcast %and3A_1027 : i32 to vector<16xi32>
      %gather3A_1029 = arith.constant 5 : i32
      %gather3A_1030 = arith.constant 0 : i32
      %gather3A_1031 = arith.constant 0 : i32
      %gather3A_1032 = tpu.memref_slice %arg6[%gather3A_1029, %gather3A_1030, %gather3A_1031] : memref<8x32x128xf32, #tpu.memory_space<vmem>> -> memref<1x32x128xf32, #tpu.memory_space<vmem>>
      %gather3A_1033 = tpu.memref_squeeze %gather3A_1032 : memref<1x32x128xf32, #tpu.memory_space<vmem>> -> memref<32x128xf32, #tpu.memory_space<vmem>>
      %gather3A_1034 = tpu.vector_load_idx %gather3A_1033[%iota3A, %broadcast_in_dim3A_1028] : memref<32x128xf32, #tpu.memory_space<vmem>>[vector<16xi32>, vector<16xi32>], vector<16xf32>,
      %gather3A_1035 = arith.constant 5 : i32
      %gather3A_1036 = arith.constant 0 : i32
      %gather3A_1037 = arith.constant 0 : i32
      %gather3A_1038 = tpu.memref_slice %arg6[%gather3A_1035, %gather3A_1036, %gather3A_1037] : memref<8x32x128xf32, #tpu.memory_space<vmem>> -> memref<1x32x128xf32, #tpu.memory_space<vmem>>
      %gather3A_1039 = tpu.memref_squeeze %gather3A_1038 : memref<1x32x128xf32, #tpu.memory_space<vmem>> -> memref<32x128xf32, #tpu.memory_space<vmem>>
      %gather3A_1040 = tpu.vector_load_idx %gather3A_1039[%add3A_5, %broadcast_in_dim3A_1028] : memref<32x128xf32, #tpu.memory_space<vmem>>[vector<16xi32>, vector<16xi32>], vector<16xf32>,
      %mul3A_1041 = arith.constant 16 : i32
      %mul3A_1042 = arith.muli %scan3A_193, %mul3A_1041 : i32
      %add3A_1043 = arith.constant 13 : i32
      %add3A_1044 = arith.addi %mul3A_1042, %add3A_1043 : i32
      %swap3A_1045 = arith.index_cast %add3A_1044 : i32 to index
      %swap3A_1046 = arith.constant 0 : index
      %swap3A_1047 = tpu.vector_load %arg7[%swap3A_1045, %swap3A_1046] {strides = array<i32>} : memref<512x32xf32, #tpu.memory_space<vmem>>, vector<16xf32>,
      tpu.vector_store %arg7[%swap3A_1045, %swap3A_1046], %gather3A_1034 {strides = array<i32>} : memref<512x32xf32, #tpu.memory_space<vmem>>, vector<16xf32>,
      %swap3A_1048 = arith.index_cast %add3A_1044 : i32 to index
      %swap3A_1049 = arith.constant 16 : index
      %swap3A_1050 = tpu.vector_load %arg7[%swap3A_1048, %swap3A_1049] {strides = array<i32>} : memref<512x32xf32, #tpu.memory_space<vmem>>, vector<16xf32>,
      tpu.vector_store %arg7[%swap3A_1048, %swap3A_1049], %gather3A_1040 {strides = array<i32>} : memref<512x32xf32, #tpu.memory_space<vmem>>, vector<16xf32>,
      %not3A_1051 = arith.constant true
      %not3A_1052 = arith.xori %eq3A_218, %not3A_1051 : i1
      %convert_element_type3A_1053 = arith.extui %not3A_1052 : i1 to i32
      %cond3A_1054 = arith.constant 0 : i32
      %cond3A_1055 = arith.cmpi ne, %convert_element_type3A_1053, %cond3A_1054 : i32
      scf.if %cond3A_1055 {
        %slice3A_1156 = vector.extract_strided_slice %get3A_216 {offsets = [5], sizes = [1], strides = [1]} : vector<16xi32> to vector<1xi32>
        %squeeze3A_1157 = vector.extract %slice3A_1156[0] : i32 from vector<1xi32>
        %shift_right_arithmetic3A_1158 = arith.constant 7 : i32
        %shift_right_arithmetic3A_1159 = arith.shrsi %squeeze3A_1157, %shift_right_arithmetic3A_1158 : i32
        %mul3A_1160 = arith.constant 128 : i32
        %mul3A_1161 = arith.muli %shift_right_arithmetic3A_1159, %mul3A_1160 : i32
        %multiple_of3A_1162 = tpu.assume_multiple %mul3A_1161, 128 : i32
        %dma_start3A_1163 = arith.constant 5 : i32
        %dma_start3A_1164 = arith.constant 5 : i32
        %dma_start3A_1165 = arith.constant 0 : i32
        %dma_start3A_1166 = arith.constant 0 : i32
        %dma_start3A_1167 = tpu.memref_slice %arg6[%dma_start3A_1163, %dma_start3A_1165, %dma_start3A_1166] : memref<8x32x128xf32, #tpu.memory_space<vmem>> -> memref<1x32x128xf32, #tpu.memory_space<vmem>>
        %dma_start3A_1168 = tpu.memref_squeeze %dma_start3A_1167 : memref<1x32x128xf32, #tpu.memory_space<vmem>> -> memref<32x128xf32, #tpu.memory_space<vmem>>
        %dma_start3A_1169 = arith.constant 0 : i32
        %dma_start3A_1170 = tpu.memref_slice %arg3[%dma_start3A_1169, %multiple_of3A_1162] : memref<32x1000000xf32, #tpu.memory_space<hbm>> -> memref<32x128xf32, #tpu.memory_space<hbm>>
        %dma_start3A_1171 = tpu.memref_slice %arg8[%dma_start3A_1164] : memref<8x!tpu.dma_semaphore, #tpu.memory_space<semaphore_mem>> -> memref<1x!tpu.dma_semaphore, #tpu.memory_space<semaphore_mem>>
        %dma_start3A_1172 = tpu.memref_squeeze %dma_start3A_1171 : memref<1x!tpu.dma_semaphore, #tpu.memory_space<semaphore_mem>> -> memref<!tpu.dma_semaphore, #tpu.memory_space<semaphore_mem>>
        %dma_start3A_1173 = arith.constant 0 : i32
        %dma_start3A_1174 = arith.constant 0 : i32
        %dma_start3A_1175 = tpu.memref_slice %arg6[%dma_start3A_1163, %dma_start3A_1173, %dma_start3A_1174] : memref<8x32x128xf32, #tpu.memory_space<vmem>> -> memref<1x32x128xf32, #tpu.memory_space<vmem>>
        %dma_start3A_1176 = tpu.memref_squeeze %dma_start3A_1175 : memref<1x32x128xf32, #tpu.memory_space<vmem>> -> memref<32x128xf32, #tpu.memory_space<vmem>>
        %dma_start3A_1177 = arith.constant 0 : i32
        %dma_start3A_1178 = tpu.memref_slice %arg3[%dma_start3A_1177, %multiple_of3A_1162] : memref<32x1000000xf32, #tpu.memory_space<hbm>> -> memref<32x128xf32, #tpu.memory_space<hbm>>
        tpu.enqueue_dma source(%dma_start3A_1178 : memref<32x128xf32, #tpu.memory_space<hbm>>) target(%dma_start3A_1176 : memref<32x128xf32, #tpu.memory_space<vmem>>) target_semaphore(%dma_start3A_1172 : memref<!tpu.dma_semaphore, #tpu.memory_space<semaphore_mem>>)
      } else {
      }
      %dma_wait3A_1056 = arith.constant 6 : i32
      %dma_wait3A_1057 = arith.constant 6 : i32
      %dma_wait3A_1058 = arith.constant 0 : i32
      %dma_wait3A_1059 = arith.constant 0 : i32
      %dma_wait3A_1060 = tpu.memref_slice %arg6[%dma_wait3A_1056, %dma_wait3A_1058, %dma_wait3A_1059] : memref<8x32x128xf32, #tpu.memory_space<vmem>> -> memref<1x32x128xf32, #tpu.memory_space<vmem>>
      %dma_wait3A_1061 = tpu.memref_squeeze %dma_wait3A_1060 : memref<1x32x128xf32, #tpu.memory_space<vmem>> -> memref<32x128xf32, #tpu.memory_space<vmem>>
      %dma_wait3A_1062 = arith.constant 0 : i32
      %dma_wait3A_1063 = arith.constant 0 : i32
      %dma_wait3A_1064 = tpu.memref_slice %arg3[%dma_wait3A_1062, %dma_wait3A_1063] : memref<32x1000000xf32, #tpu.memory_space<hbm>> -> memref<32x128xf32, #tpu.memory_space<hbm>>
      %dma_wait3A_1065 = tpu.memref_slice %arg8[%dma_wait3A_1057] : memref<8x!tpu.dma_semaphore, #tpu.memory_space<semaphore_mem>> -> memref<1x!tpu.dma_semaphore, #tpu.memory_space<semaphore_mem>>
      %dma_wait3A_1066 = tpu.memref_squeeze %dma_wait3A_1065 : memref<1x!tpu.dma_semaphore, #tpu.memory_space<semaphore_mem>> -> memref<!tpu.dma_semaphore, #tpu.memory_space<semaphore_mem>>
      %dma_wait3A_1067 = arith.constant 0 : i32
      %dma_wait3A_1068 = arith.constant 0 : i32
      %dma_wait3A_1069 = tpu.memref_slice %arg6[%dma_wait3A_1056, %dma_wait3A_1067, %dma_wait3A_1068] : memref<8x32x128xf32, #tpu.memory_space<vmem>> -> memref<1x32x128xf32, #tpu.memory_space<vmem>>
      %dma_wait3A_1070 = tpu.memref_squeeze %dma_wait3A_1069 : memref<1x32x128xf32, #tpu.memory_space<vmem>> -> memref<32x128xf32, #tpu.memory_space<vmem>>
      %dma_wait3A_1071 = arith.constant 0 : i32
      %dma_wait3A_1072 = arith.constant 0 : i32
      %dma_wait3A_1073 = tpu.memref_slice %arg3[%dma_wait3A_1071, %dma_wait3A_1072] : memref<32x1000000xf32, #tpu.memory_space<hbm>> -> memref<32x128xf32, #tpu.memory_space<hbm>>
      tpu.wait_dma2 semaphore(%dma_wait3A_1066 : memref<!tpu.dma_semaphore, #tpu.memory_space<semaphore_mem>>) src(%dma_wait3A_1073 : memref<32x128xf32, #tpu.memory_space<hbm>>) dst(%dma_wait3A_1070 : memref<32x128xf32, #tpu.memory_space<vmem>>)
      %slice3A_1074 = vector.extract_strided_slice %get3A_199 {offsets = [14], sizes = [1], strides = [1]} : vector<16xi32> to vector<1xi32>
      %squeeze3A_1075 = vector.extract %slice3A_1074[0] : i32 from vector<1xi32>
      %and3A_1076 = arith.constant 127 : i32
      %and3A_1077 = arith.andi %squeeze3A_1075, %and3A_1076 : i32
      %broadcast_in_dim3A_1078 = vector.broadcast %and3A_1077 : i32 to vector<16xi32>
      %gather3A_1079 = arith.constant 6 : i32
      %gather3A_1080 = arith.constant 0 : i32
      %gather3A_1081 = arith.constant 0 : i32
      %gather3A_1082 = tpu.memref_slice %arg6[%gather3A_1079, %gather3A_1080, %gather3A_1081] : memref<8x32x128xf32, #tpu.memory_space<vmem>> -> memref<1x32x128xf32, #tpu.memory_space<vmem>>
      %gather3A_1083 = tpu.memref_squeeze %gather3A_1082 : memref<1x32x128xf32, #tpu.memory_space<vmem>> -> memref<32x128xf32, #tpu.memory_space<vmem>>
      %gather3A_1084 = tpu.vector_load_idx %gather3A_1083[%iota3A, %broadcast_in_dim3A_1078] : memref<32x128xf32, #tpu.memory_space<vmem>>[vector<16xi32>, vector<16xi32>], vector<16xf32>,
      %gather3A_1085 = arith.constant 6 : i32
      %gather3A_1086 = arith.constant 0 : i32
      %gather3A_1087 = arith.constant 0 : i32
      %gather3A_1088 = tpu.memref_slice %arg6[%gather3A_1085, %gather3A_1086, %gather3A_1087] : memref<8x32x128xf32, #tpu.memory_space<vmem>> -> memref<1x32x128xf32, #tpu.memory_space<vmem>>
      %gather3A_1089 = tpu.memref_squeeze %gather3A_1088 : memref<1x32x128xf32, #tpu.memory_space<vmem>> -> memref<32x128xf32, #tpu.memory_space<vmem>>
      %gather3A_1090 = tpu.vector_load_idx %gather3A_1089[%add3A_5, %broadcast_in_dim3A_1078] : memref<32x128xf32, #tpu.memory_space<vmem>>[vector<16xi32>, vector<16xi32>], vector<16xf32>,
      %mul3A_1091 = arith.constant 16 : i32
      %mul3A_1092 = arith.muli %scan3A_193, %mul3A_1091 : i32
      %add3A_1093 = arith.constant 14 : i32
      %add3A_1094 = arith.addi %mul3A_1092, %add3A_1093 : i32
      %swap3A_1095 = arith.index_cast %add3A_1094 : i32 to index
      %swap3A_1096 = arith.constant 0 : index
      %swap3A_1097 = tpu.vector_load %arg7[%swap3A_1095, %swap3A_1096] {strides = array<i32>} : memref<512x32xf32, #tpu.memory_space<vmem>>, vector<16xf32>,
      tpu.vector_store %arg7[%swap3A_1095, %swap3A_1096], %gather3A_1084 {strides = array<i32>} : memref<512x32xf32, #tpu.memory_space<vmem>>, vector<16xf32>,
      %swap3A_1098 = arith.index_cast %add3A_1094 : i32 to index
      %swap3A_1099 = arith.constant 16 : index
      %swap3A_1100 = tpu.vector_load %arg7[%swap3A_1098, %swap3A_1099] {strides = array<i32>} : memref<512x32xf32, #tpu.memory_space<vmem>>, vector<16xf32>,
      tpu.vector_store %arg7[%swap3A_1098, %swap3A_1099], %gather3A_1090 {strides = array<i32>} : memref<512x32xf32, #tpu.memory_space<vmem>>, vector<16xf32>,
      %not3A_1101 = arith.constant true
      %not3A_1102 = arith.xori %eq3A_218, %not3A_1101 : i1
      %convert_element_type3A_1103 = arith.extui %not3A_1102 : i1 to i32
      %cond3A_1104 = arith.constant 0 : i32
      %cond3A_1105 = arith.cmpi ne, %convert_element_type3A_1103, %cond3A_1104 : i32
      scf.if %cond3A_1105 {
        %slice3A_1156 = vector.extract_strided_slice %get3A_216 {offsets = [6], sizes = [1], strides = [1]} : vector<16xi32> to vector<1xi32>
        %squeeze3A_1157 = vector.extract %slice3A_1156[0] : i32 from vector<1xi32>
        %shift_right_arithmetic3A_1158 = arith.constant 7 : i32
        %shift_right_arithmetic3A_1159 = arith.shrsi %squeeze3A_1157, %shift_right_arithmetic3A_1158 : i32
        %mul3A_1160 = arith.constant 128 : i32
        %mul3A_1161 = arith.muli %shift_right_arithmetic3A_1159, %mul3A_1160 : i32
        %multiple_of3A_1162 = tpu.assume_multiple %mul3A_1161, 128 : i32
        %dma_start3A_1163 = arith.constant 6 : i32
        %dma_start3A_1164 = arith.constant 6 : i32
        %dma_start3A_1165 = arith.constant 0 : i32
        %dma_start3A_1166 = arith.constant 0 : i32
        %dma_start3A_1167 = tpu.memref_slice %arg6[%dma_start3A_1163, %dma_start3A_1165, %dma_start3A_1166] : memref<8x32x128xf32, #tpu.memory_space<vmem>> -> memref<1x32x128xf32, #tpu.memory_space<vmem>>
        %dma_start3A_1168 = tpu.memref_squeeze %dma_start3A_1167 : memref<1x32x128xf32, #tpu.memory_space<vmem>> -> memref<32x128xf32, #tpu.memory_space<vmem>>
        %dma_start3A_1169 = arith.constant 0 : i32
        %dma_start3A_1170 = tpu.memref_slice %arg3[%dma_start3A_1169, %multiple_of3A_1162] : memref<32x1000000xf32, #tpu.memory_space<hbm>> -> memref<32x128xf32, #tpu.memory_space<hbm>>
        %dma_start3A_1171 = tpu.memref_slice %arg8[%dma_start3A_1164] : memref<8x!tpu.dma_semaphore, #tpu.memory_space<semaphore_mem>> -> memref<1x!tpu.dma_semaphore, #tpu.memory_space<semaphore_mem>>
        %dma_start3A_1172 = tpu.memref_squeeze %dma_start3A_1171 : memref<1x!tpu.dma_semaphore, #tpu.memory_space<semaphore_mem>> -> memref<!tpu.dma_semaphore, #tpu.memory_space<semaphore_mem>>
        %dma_start3A_1173 = arith.constant 0 : i32
        %dma_start3A_1174 = arith.constant 0 : i32
        %dma_start3A_1175 = tpu.memref_slice %arg6[%dma_start3A_1163, %dma_start3A_1173, %dma_start3A_1174] : memref<8x32x128xf32, #tpu.memory_space<vmem>> -> memref<1x32x128xf32, #tpu.memory_space<vmem>>
        %dma_start3A_1176 = tpu.memref_squeeze %dma_start3A_1175 : memref<1x32x128xf32, #tpu.memory_space<vmem>> -> memref<32x128xf32, #tpu.memory_space<vmem>>
        %dma_start3A_1177 = arith.constant 0 : i32
        %dma_start3A_1178 = tpu.memref_slice %arg3[%dma_start3A_1177, %multiple_of3A_1162] : memref<32x1000000xf32, #tpu.memory_space<hbm>> -> memref<32x128xf32, #tpu.memory_space<hbm>>
        tpu.enqueue_dma source(%dma_start3A_1178 : memref<32x128xf32, #tpu.memory_space<hbm>>) target(%dma_start3A_1176 : memref<32x128xf32, #tpu.memory_space<vmem>>) target_semaphore(%dma_start3A_1172 : memref<!tpu.dma_semaphore, #tpu.memory_space<semaphore_mem>>)
      } else {
      }
      %dma_wait3A_1106 = arith.constant 7 : i32
      %dma_wait3A_1107 = arith.constant 7 : i32
      %dma_wait3A_1108 = arith.constant 0 : i32
      %dma_wait3A_1109 = arith.constant 0 : i32
      %dma_wait3A_1110 = tpu.memref_slice %arg6[%dma_wait3A_1106, %dma_wait3A_1108, %dma_wait3A_1109] : memref<8x32x128xf32, #tpu.memory_space<vmem>> -> memref<1x32x128xf32, #tpu.memory_space<vmem>>
      %dma_wait3A_1111 = tpu.memref_squeeze %dma_wait3A_1110 : memref<1x32x128xf32, #tpu.memory_space<vmem>> -> memref<32x128xf32, #tpu.memory_space<vmem>>
      %dma_wait3A_1112 = arith.constant 0 : i32
      %dma_wait3A_1113 = arith.constant 0 : i32
      %dma_wait3A_1114 = tpu.memref_slice %arg3[%dma_wait3A_1112, %dma_wait3A_1113] : memref<32x1000000xf32, #tpu.memory_space<hbm>> -> memref<32x128xf32, #tpu.memory_space<hbm>>
      %dma_wait3A_1115 = tpu.memref_slice %arg8[%dma_wait3A_1107] : memref<8x!tpu.dma_semaphore, #tpu.memory_space<semaphore_mem>> -> memref<1x!tpu.dma_semaphore, #tpu.memory_space<semaphore_mem>>
      %dma_wait3A_1116 = tpu.memref_squeeze %dma_wait3A_1115 : memref<1x!tpu.dma_semaphore, #tpu.memory_space<semaphore_mem>> -> memref<!tpu.dma_semaphore, #tpu.memory_space<semaphore_mem>>
      %dma_wait3A_1117 = arith.constant 0 : i32
      %dma_wait3A_1118 = arith.constant 0 : i32
      %dma_wait3A_1119 = tpu.memref_slice %arg6[%dma_wait3A_1106, %dma_wait3A_1117, %dma_wait3A_1118] : memref<8x32x128xf32, #tpu.memory_space<vmem>> -> memref<1x32x128xf32, #tpu.memory_space<vmem>>
      %dma_wait3A_1120 = tpu.memref_squeeze %dma_wait3A_1119 : memref<1x32x128xf32, #tpu.memory_space<vmem>> -> memref<32x128xf32, #tpu.memory_space<vmem>>
      %dma_wait3A_1121 = arith.constant 0 : i32
      %dma_wait3A_1122 = arith.constant 0 : i32
      %dma_wait3A_1123 = tpu.memref_slice %arg3[%dma_wait3A_1121, %dma_wait3A_1122] : memref<32x1000000xf32, #tpu.memory_space<hbm>> -> memref<32x128xf32, #tpu.memory_space<hbm>>
      tpu.wait_dma2 semaphore(%dma_wait3A_1116 : memref<!tpu.dma_semaphore, #tpu.memory_space<semaphore_mem>>) src(%dma_wait3A_1123 : memref<32x128xf32, #tpu.memory_space<hbm>>) dst(%dma_wait3A_1120 : memref<32x128xf32, #tpu.memory_space<vmem>>)
      %slice3A_1124 = vector.extract_strided_slice %get3A_199 {offsets = [15], sizes = [1], strides = [1]} : vector<16xi32> to vector<1xi32>
      %squeeze3A_1125 = vector.extract %slice3A_1124[0] : i32 from vector<1xi32>
      %and3A_1126 = arith.constant 127 : i32
      %and3A_1127 = arith.andi %squeeze3A_1125, %and3A_1126 : i32
      %broadcast_in_dim3A_1128 = vector.broadcast %and3A_1127 : i32 to vector<16xi32>
      %gather3A_1129 = arith.constant 7 : i32
      %gather3A_1130 = arith.constant 0 : i32
      %gather3A_1131 = arith.constant 0 : i32
      %gather3A_1132 = tpu.memref_slice %arg6[%gather3A_1129, %gather3A_1130, %gather3A_1131] : memref<8x32x128xf32, #tpu.memory_space<vmem>> -> memref<1x32x128xf32, #tpu.memory_space<vmem>>
      %gather3A_1133 = tpu.memref_squeeze %gather3A_1132 : memref<1x32x128xf32, #tpu.memory_space<vmem>> -> memref<32x128xf32, #tpu.memory_space<vmem>>
      %gather3A_1134 = tpu.vector_load_idx %gather3A_1133[%iota3A, %broadcast_in_dim3A_1128] : memref<32x128xf32, #tpu.memory_space<vmem>>[vector<16xi32>, vector<16xi32>], vector<16xf32>,
      %gather3A_1135 = arith.constant 7 : i32
      %gather3A_1136 = arith.constant 0 : i32
      %gather3A_1137 = arith.constant 0 : i32
      %gather3A_1138 = tpu.memref_slice %arg6[%gather3A_1135, %gather3A_1136, %gather3A_1137] : memref<8x32x128xf32, #tpu.memory_space<vmem>> -> memref<1x32x128xf32, #tpu.memory_space<vmem>>
      %gather3A_1139 = tpu.memref_squeeze %gather3A_1138 : memref<1x32x128xf32, #tpu.memory_space<vmem>> -> memref<32x128xf32, #tpu.memory_space<vmem>>
      %gather3A_1140 = tpu.vector_load_idx %gather3A_1139[%add3A_5, %broadcast_in_dim3A_1128] : memref<32x128xf32, #tpu.memory_space<vmem>>[vector<16xi32>, vector<16xi32>], vector<16xf32>,
      %mul3A_1141 = arith.constant 16 : i32
      %mul3A_1142 = arith.muli %scan3A_193, %mul3A_1141 : i32
      %add3A_1143 = arith.constant 15 : i32
      %add3A_1144 = arith.addi %mul3A_1142, %add3A_1143 : i32
      %swap3A_1145 = arith.index_cast %add3A_1144 : i32 to index
      %swap3A_1146 = arith.constant 0 : index
      %swap3A_1147 = tpu.vector_load %arg7[%swap3A_1145, %swap3A_1146] {strides = array<i32>} : memref<512x32xf32, #tpu.memory_space<vmem>>, vector<16xf32>,
      tpu.vector_store %arg7[%swap3A_1145, %swap3A_1146], %gather3A_1134 {strides = array<i32>} : memref<512x32xf32, #tpu.memory_space<vmem>>, vector<16xf32>,
      %swap3A_1148 = arith.index_cast %add3A_1144 : i32 to index
      %swap3A_1149 = arith.constant 16 : index
      %swap3A_1150 = tpu.vector_load %arg7[%swap3A_1148, %swap3A_1149] {strides = array<i32>} : memref<512x32xf32, #tpu.memory_space<vmem>>, vector<16xf32>,
      tpu.vector_store %arg7[%swap3A_1148, %swap3A_1149], %gather3A_1140 {strides = array<i32>} : memref<512x32xf32, #tpu.memory_space<vmem>>, vector<16xf32>,
      %not3A_1151 = arith.constant true
      %not3A_1152 = arith.xori %eq3A_218, %not3A_1151 : i1
      %convert_element_type3A_1153 = arith.extui %not3A_1152 : i1 to i32
      %cond3A_1154 = arith.constant 0 : i32
      %cond3A_1155 = arith.cmpi ne, %convert_element_type3A_1153, %cond3A_1154 : i32
      scf.if %cond3A_1155 {
        %slice3A_1156 = vector.extract_strided_slice %get3A_216 {offsets = [7], sizes = [1], strides = [1]} : vector<16xi32> to vector<1xi32>
        %squeeze3A_1157 = vector.extract %slice3A_1156[0] : i32 from vector<1xi32>
        %shift_right_arithmetic3A_1158 = arith.constant 7 : i32
        %shift_right_arithmetic3A_1159 = arith.shrsi %squeeze3A_1157, %shift_right_arithmetic3A_1158 : i32
        %mul3A_1160 = arith.constant 128 : i32
        %mul3A_1161 = arith.muli %shift_right_arithmetic3A_1159, %mul3A_1160 : i32
        %multiple_of3A_1162 = tpu.assume_multiple %mul3A_1161, 128 : i32
        %dma_start3A_1163 = arith.constant 7 : i32
        %dma_start3A_1164 = arith.constant 7 : i32
        %dma_start3A_1165 = arith.constant 0 : i32
        %dma_start3A_1166 = arith.constant 0 : i32
        %dma_start3A_1167 = tpu.memref_slice %arg6[%dma_start3A_1163, %dma_start3A_1165, %dma_start3A_1166] : memref<8x32x128xf32, #tpu.memory_space<vmem>> -> memref<1x32x128xf32, #tpu.memory_space<vmem>>
        %dma_start3A_1168 = tpu.memref_squeeze %dma_start3A_1167 : memref<1x32x128xf32, #tpu.memory_space<vmem>> -> memref<32x128xf32, #tpu.memory_space<vmem>>
        %dma_start3A_1169 = arith.constant 0 : i32
        %dma_start3A_1170 = tpu.memref_slice %arg3[%dma_start3A_1169, %multiple_of3A_1162] : memref<32x1000000xf32, #tpu.memory_space<hbm>> -> memref<32x128xf32, #tpu.memory_space<hbm>>
        %dma_start3A_1171 = tpu.memref_slice %arg8[%dma_start3A_1164] : memref<8x!tpu.dma_semaphore, #tpu.memory_space<semaphore_mem>> -> memref<1x!tpu.dma_semaphore, #tpu.memory_space<semaphore_mem>>
        %dma_start3A_1172 = tpu.memref_squeeze %dma_start3A_1171 : memref<1x!tpu.dma_semaphore, #tpu.memory_space<semaphore_mem>> -> memref<!tpu.dma_semaphore, #tpu.memory_space<semaphore_mem>>
        %dma_start3A_1173 = arith.constant 0 : i32
        %dma_start3A_1174 = arith.constant 0 : i32
        %dma_start3A_1175 = tpu.memref_slice %arg6[%dma_start3A_1163, %dma_start3A_1173, %dma_start3A_1174] : memref<8x32x128xf32, #tpu.memory_space<vmem>> -> memref<1x32x128xf32, #tpu.memory_space<vmem>>
        %dma_start3A_1176 = tpu.memref_squeeze %dma_start3A_1175 : memref<1x32x128xf32, #tpu.memory_space<vmem>> -> memref<32x128xf32, #tpu.memory_space<vmem>>
        %dma_start3A_1177 = arith.constant 0 : i32
        %dma_start3A_1178 = tpu.memref_slice %arg3[%dma_start3A_1177, %multiple_of3A_1162] : memref<32x1000000xf32, #tpu.memory_space<hbm>> -> memref<32x128xf32, #tpu.memory_space<hbm>>
        tpu.enqueue_dma source(%dma_start3A_1178 : memref<32x128xf32, #tpu.memory_space<hbm>>) target(%dma_start3A_1176 : memref<32x128xf32, #tpu.memory_space<vmem>>) target_semaphore(%dma_start3A_1172 : memref<!tpu.dma_semaphore, #tpu.memory_space<semaphore_mem>>)
      } else {
      }
    }
    %scan3A_192 = arith.constant 32 : i32
    "tpu.region"() ({
      %run_scoped3A = tpu.sem_alloc : memref<!tpu.dma_semaphore, #tpu.memory_space<semaphore_mem>>
      %dma_start3A_193 = arith.constant 0 : i32
      %dma_start3A_194 = tpu.memref_slice %arg4[%mul3A_2, %dma_start3A_193] : memref<16384x32xf32, #tpu.memory_space<hbm>> -> memref<512x32xf32, #tpu.memory_space<hbm>>
      %dma_start3A_195 = arith.constant 0 : i32
      %dma_start3A_196 = tpu.memref_slice %arg4[%mul3A_2, %dma_start3A_195] : memref<16384x32xf32, #tpu.memory_space<hbm>> -> memref<512x32xf32, #tpu.memory_space<hbm>>
      tpu.enqueue_dma source(%arg7 : memref<512x32xf32, #tpu.memory_space<vmem>>) target(%dma_start3A_196 : memref<512x32xf32, #tpu.memory_space<hbm>>) target_semaphore(%run_scoped3A : memref<!tpu.dma_semaphore, #tpu.memory_space<semaphore_mem>>)
      %dma_wait3A = arith.constant 0 : i32
      %dma_wait3A_197 = tpu.memref_slice %arg4[%mul3A_2, %dma_wait3A] : memref<16384x32xf32, #tpu.memory_space<hbm>> -> memref<512x32xf32, #tpu.memory_space<hbm>>
      %dma_wait3A_198 = arith.constant 0 : i32
      %dma_wait3A_199 = tpu.memref_slice %arg4[%mul3A_2, %dma_wait3A_198] : memref<16384x32xf32, #tpu.memory_space<hbm>> -> memref<512x32xf32, #tpu.memory_space<hbm>>
      tpu.wait_dma2 semaphore(%run_scoped3A : memref<!tpu.dma_semaphore, #tpu.memory_space<semaphore_mem>>) src(%arg7 : memref<512x32xf32, #tpu.memory_space<vmem>>) dst(%dma_wait3A_199 : memref<512x32xf32, #tpu.memory_space<hbm>>)
      tpu.yield
    }) : () -> ()
    return
  }
}

</mosaic_0001>

<sc_bundles>
// kernel: kernel.3.cloned.1.call-start
scs
__scs_entry_jumppad:
0x0: {  	(pc) =	sbr.rel $0x88, $3  }
0x1: {  	(tag) =	ssettag $0x0;
	lr =	simm.s32 $0x1  }
0x2: {  	[smem:$0x3F9F] =	sst lr;
	_ =	strace $0xD0000000  }
0x3: {  	_ = 	snop  }
0x4: {  	_ = 	snop  }
0x5: {  	_ = 	snop  }
0x6: {  	_ = 	snop  }
0x7: {  	_ = 	snop  }
__scs_overlays_trampoline_lowered:
0x8: {  	[smem:$0x3FAE] =	sst s0  }
0x9: {  	[smem:$0x3FAF] =	sst s1  }
0xa: {  	[smem:$0x3FB0] =	sst s2  }
0xb: {  	[smem:$0x3FB1] =	sst s3  }
0xc: {  	[smem:$0x3FB2] =	sst s4  }
0xd: {  	[smem:$0x3FB3] =	sst s5  }
0xe: {  	[smem:$0x3FB4] =	sst s6  }
0xf: {  	[smem:$0x3FB5] =	sst s7  }
0x10: {  	[smem:$0x3FB6] =	sst s8  }
0x11: {  	[smem:$0x3FB7] =	sst s9;
	s0 =	simm.s32 @!p0 $0x0  }
0x12: {  	s1 =	sld [smem:$0x3F9D];
	s0 =	simm.s32 @p0 $0x1  }
0x13: {  	[smem:$0x3FB8] =	sst s0;
	s0 =	simm.s32 @!p1 $0x0  }
0x14: {  	s2 =	sld [smem:$0x3F9C];
	s0 =	simm.s32 @p1 $0x1  }
0x15: {  	[smem:$0x3FB9] =	sst s0;
	s0 =	simm.s32 @!p2 $0x0  }
0x16: {  	s3 =	sld [smem:$0x3FDB];
	s0 =	simm.s32 @p2 $0x1  }
0x17: {  	s4 =	simm.s32 $0x1BF5;
	[smem:$0x3FBB] =	sst s0  }
0x18: {  	s0 =	sld [smem:$0x3F9E];
	_ =	swait.ge [sflag:s4], $0x0  }
0x19: {  	s7 =	sld [smem:$0x3F9F]  }
0x1a: {  	s8 =	sadd.s32 $0xFFFFE003, lr  }
0x1b: {  	s9 =	sadd.s32 $0xFFFFFEF7, lr;
	s5 =	simm.s32 $0xFFFFFFFF;
	p2 =	slt.u32 s8, $0xFFFFF086  }
0x1c: {  	p1 =	slt.u32 s9, $0xF7A;
	s5 =	simm.s32 @!p2 $0x0  }
0x1d: {  	s5 =	simm.s32 @p1 $0x1;
	p0 =	seq.s32 s7, s2  }
0x1e: {  	s7 =	smul.u32 @!p0 $0xF7A, s2;
	p2 =	seq.s32 @!p0 s5, $0x0  }
0x1f: {  	s9 =	smul.u32 $0xF7A, s1;
	s8 =	simm.s32 @!p0 $0x1BF5;
	p2 =	por !p2, p0  }
0x20: {  	[sflag:s8] =	ssyncset.s32 @!p0 $0xFFFFF086;
	s6 =	sadd.s32 @!p0 s3, s7;
	s7 =	simm.s32 @!p0 $0x108  }
0x21: {  	s3 =	sadd.s32 s3, s9;
	s6 =	sadd.s32 @!p0 $0x88, s6;
	s7 =	simm.s32 @p2 $0x1082  }
0x22: {  	[simem:s7], [sflag:s8] =	dma.local @!p0 [hbm:s6], $0xF7A  }
0x23: {  	s9 =	sor.u32 $0xD0000000, s2;
	s6 =	simm.s32 $0x108;
	_ =	swait.ge @!p0 [sflag:s8], $0x0  }
0x24: {  	s3 =	sadd.s32 $0x88, s3;
	s6 =	simm.s32 @!p1 $0x1082;
	[sflag:s4] =	ssyncset.s32 $0xFFFFF086  }
0x25: {  	[simem:s6], [sflag:s4] =	dma.local [hbm:s3], $0xF7A  }
0x26: {  	[smem:$0x3F9F] =	sst s1;
	(tag) =	ssettag s2;
	_ =	strace s9  }
0x27: {  	s1 =	sld [smem:$0x3FAF]  }
0x28: {  	s2 =	sld [smem:$0x3FB0]  }
0x29: {  	s4 =	sld [smem:$0x3FB2]  }
0x2a: {  	p0 =	seq.s32 s5, $0x0;
	s5 =	sld [smem:$0x3FB3]  }
0x2b: {  	s6 =	sld [smem:$0x3FB4]  }
0x2c: {  	s7 =	sld [smem:$0x3FB5]  }
0x2d: {  	s3 =	simm.s32 $0x108;
	s8 =	sld [smem:$0x3FB6]  }
0x2e: {  	s3 =	simm.s32 @!p0 $0x1082;
	s9 =	sld [smem:$0x3FB7]  }
0x2f: {  	lr =	sadd.s32 s0, s3;
	s0 =	sld [smem:$0x3FAE]  }
0x30: {  	s3 =	sld [smem:$0x3FB1]  }
0x31: {  	[smem:$0x3FBA] =	sst s10  }
0x32: {  	s10 =	sld [smem:$0x3FB8];
	_ =	sdelay $0x3  }
0x33: {  	p0 =	seq.s32 s10, $0x1;
	s10 =	sld [smem:$0x3FBA];
	_ =	sdelay $0x3  }
0x34: {  	[smem:$0x3FBA] =	sst s10  }
0x35: {  	s10 =	sld [smem:$0x3FB9];
	_ =	sdelay $0x3  }
0x36: {  	p1 =	seq.s32 s10, $0x1;
	s10 =	sld [smem:$0x3FBA];
	_ =	sdelay $0x3  }
0x37: {  	[smem:$0x3FBA] =	sst s10  }
0x38: {  	s10 =	sld [smem:$0x3FBB]  }
0x39: {  	_ = 	snop;
	(pc) =	sbr.ind lr, $3  }
0x3a: {  	_ = 	snop  }
0x3b: {  	_ = 	snop  }
0x3c: {  	p2 =	seq.s32 s10, $0x1;
	s10 =	sld [smem:$0x3FBA]  }
0x3d: {  	_ =	shalt  }
0x3e: {  	_ =	shalt  }
0x3f: {  	_ =	shalt  }
0x40: {  	_ =	shalt  }
0x41: {  	_ =	shalt  }
0x42: {  	_ =	shalt  }
0x43: {  	_ =	shalt  }
0x44: {  	_ =	shalt  }
0x45: {  	_ =	shalt  }
0x46: {  	_ =	shalt  }
0x47: {  	_ =	shalt  }
0x48: {  	_ =	shalt  }
0x49: {  	_ =	shalt  }
0x4a: {  	_ =	shalt  }
0x4b: {  	_ =	shalt  }
0x4c: {  	_ =	shalt  }
0x4d: {  	_ =	shalt  }
0x4e: {  	_ =	shalt  }
0x4f: {  	_ =	shalt  }
0x50: {  	_ =	shalt  }
0x51: {  	_ =	shalt  }
0x52: {  	_ =	shalt  }
0x53: {  	_ =	shalt  }
0x54: {  	_ =	shalt  }
0x55: {  	_ =	shalt  }
0x56: {  	_ =	shalt  }
0x57: {  	_ =	shalt  }
0x58: {  	_ =	shalt  }
0x59: {  	_ =	shalt  }
0x5a: {  	_ =	shalt  }
0x5b: {  	_ =	shalt  }
0x5c: {  	_ =	shalt  }
0x5d: {  	_ =	shalt  }
0x5e: {  	_ =	shalt  }
0x5f: {  	_ =	shalt  }
0x60: {  	_ =	shalt  }
0x61: {  	_ =	shalt  }
0x62: {  	_ =	shalt  }
0x63: {  	_ =	shalt  }
0x64: {  	_ =	shalt  }
0x65: {  	_ =	shalt  }
0x66: {  	_ =	shalt  }
0x67: {  	_ =	shalt  }
0x68: {  	_ =	shalt  }
0x69: {  	_ =	shalt  }
0x6a: {  	_ =	shalt  }
0x6b: {  	_ =	shalt  }
0x6c: {  	_ =	shalt  }
0x6d: {  	_ =	shalt  }
0x6e: {  	_ =	shalt  }
0x6f: {  	_ =	shalt  }
0x70: {  	_ =	shalt  }
0x71: {  	_ =	shalt  }
0x72: {  	_ =	shalt  }
0x73: {  	_ =	shalt  }
0x74: {  	_ =	shalt  }
0x75: {  	_ =	shalt  }
0x76: {  	_ =	shalt  }
0x77: {  	_ =	shalt  }
0x78: {  	_ =	shalt  }
0x79: {  	_ =	shalt  }
0x7a: {  	_ =	shalt  }
0x7b: {  	_ =	shalt  }
0x7c: {  	_ =	shalt  }
0x7d: {  	_ =	shalt  }
0x7e: {  	_ =	shalt  }
0x7f: {  	_ =	shalt  }
0x80: {  	_ =	shalt  }
0x81: {  	_ =	shalt  }
0x82: {  	_ =	shalt  }
0x83: {  	_ =	shalt  }
0x84: {  	_ =	shalt  }
0x85: {  	_ =	shalt  }
0x86: {  	_ =	shalt  }
0x87: {  	_ =	shalt  }
.Lfunc_end0:
.L_simem_size_0:
called_computation_lowered:
.L_overlay_start_0:
0x88: {  	s2 =	sld [smem:$0x3FD9]  }
0x89: {  	s3 =	sld [smem:$0x3FFE];
	_ =	sdelay $0x1  }
0x8a: {  	s1 =	srdreg.scid  }
0x8b: {  	s0 =	sand.u32 $0x1, s1  }
0x8c: {  	s17 =	sshll.u32 s0, $0xA;
	s2 =	sadd.s32 s3, s2  }
0x8d: {  	s2 =	sadd.s32 s2, s17  }
0x8e: {  	[smem:$0x3FC6] =	sst s2  }
0x8f: {  	_ = 	snop  }
0x90: {  	s2 =	sld [smem:$0x3FC9]  }
0x91: {  	s18 =	sld [smem:$0x3FC8];
	(tm) =	ssettm $0x1  }
0x92: {  	s4 =	sld [smem:$0x3FFB];
	_ =	sdelay $0x3  }
0x93: {  	_ =	strace s4  }
0x94: {  	s4 =	sld [smem:$0x3FFC];
	_ =	sdelay $0x3  }
0x95: {  	_ =	strace s4  }
0x96: {  	s4 =	sld [smem:$0x3FFD];
	_ =	sdelay $0x3  }
0x97: {  	_ =	strace s4  }
0x98: {  	_ =	strace $0x8FFFFFFF  }
0x99: {  	s19 =	sld [smem:$0x3FDB];
	_ =	sdelay $0x1  }
0x9a: {  	s5 =	simm.s32 $_scs_section_size  }
0x9b: {  	s6 =	simm.s32 $_size__tile_overlayer_lowered;
	s7 =	simm.s32 $_tile_overlayer_lowered  }
0x9c: {  	s22 =	simm.s32 $0x1BFF;
	s21 =	sshll.u32 s7, $0x1;
	s4 =	sadd.s32 s5, s19  }
0x9d: {  	s8 =	simm.s32 $0x0;
	s20 =	sshll.u32 s6, $0x1;
	s6 =	sadd.s32 s21, s4  }
0x9e: {  	[timem:s8], [sflag:s22] =	dma.local [hbm:s6], s20  }
0x9f: {  	_ =	swait.ge [sflag:s22], s20  }
0xa0: {  	s5 =	ssub.s32 $0x0, s20;
	[sflag:s22] =	ssyncset.done $0x0  }
0xa1: {  	[sflag:s22] =	ssyncadd.s32 s5;
	_ =	sdelay $0x1  }
0xa2: {  	s23 =	simm.s32 $0x1B8B  }
0xa3: {  	_ =	swait.ge [sflag:s23], $0x1  }
0xa4: {  	[sflag:s23] =	ssyncset.done $0x0  }
0xa5: {  	s25 =	simm.s32 $0x1B8E;
	s24 =	sld [smem:$0x3FFE];
	[sflag:s23] =	ssyncadd.s32 $0xFFFFFFFF  }
0xa6: {  	s26 =	simm.s32 $execute0_lowered;
	[smem:$0x3FD2] =	sst s25  }
0xa7: {  	s6 =	sshll.u32 s26, $0x1;
	_ =	strace $0x80000046;
	[dreg:$0x1] =	wrdreg $0xFFFFFFFF  }
0xa8: {  	s28 =	simm.s32 $_size_execute0_lowered;
	s4 =	sadd.s32 s4, s6;
	[dreg:$0x0] =	wrdreg $0x0  }
0xa9: {  	s6 =	sshll.u32 s28, $0x1;
	[dreg:$0x2] =	wrdreg s4  }
0xaa: {  	[dreg:$0x3] =	wrdreg s6  }
0xab: {  	[dreg:$0x4] =	wrdreg $0xC0  }
0xac: {  	_ =	task [dreg:s8], $0x5FFFF  }
0xad: {  	[dreg:$0x1] =	wrdreg $0xFFFFFFFF  }
0xae: {  	[dreg:$0x0] =	wrdreg $0x60  }
0xaf: {  	[dreg:$0x2] =	wrdreg s2  }
0xb0: {  	[dreg:$0x3] =	wrdreg s18  }
0xb1: {  	[dreg:$0x4] =	wrdreg s24  }
0xb2: {  	[dreg:$0x5] =	wrdreg $0x9  }
0xb3: {  	_ =	task.clear_ibuf [dreg:s8], $0x6FFFF;
	_ =	strace $0x90000046  }
0xb4: {  	s29 =	simm.s32 $0x9;
	_ =	strace $0x80000048  }
0xb5: {  	_ =	swait.ge [sflag:s29], $0x1  }
0xb6: {  	[sflag:s29] =	ssyncadd.s32 $0xFFFFFFFF  }
0xb7: {  	_ =	strace $0x90000048  }
0xb8: {  	_ =	sfence  }
0xb9: {  	s30 =	sld [smem:$0x0];
	_ =	sdelay $0x2  }
0xba: {  	s31 =	sshll.u32 s1, $0xD;
	s1 =	sshrl.u32 s1, $0x2  }
0xbb: {  	s3 =	sand.u32 $0x4000, s31;
	s1 =	sadd.s32 s1, s30  }
0xbc: {  	s0 =	sor.u32 s3, s0;
	s1 =	sshll.u32 s1, $0x11  }
0xbd: {  	s0 =	sor.u32 s1, s0  }
0xbe: {  	s0 =	sadd.s32 $0x8F2B, s0  }
0xbf: {  	[sflag:s0] =	ssyncadd.remote.s32 $0x1  }
0xc0: {  	_ =	sfence.sel $0xFFFF  }
0xc1: {  	[dreg:$0x0] =	wrdreg $0xFFFFFFFF;
	(pc) =	sbr.abs _section_cstart, $3  }
0xc2: {  	[dreg:$0x1] =	wrdreg $0xFFFFFFFF  }
0xc3: {  	_ =	task.clear_ibuf [dreg:s8], $0x2FFFF;
	_ =	strace $0x9FFFFFFF  }
0xc4: {  	(tm) =	ssettm $0x7FFFFFFF  }
0xc5: {  	_ =	shalt  }
tec
execute0_lowered:
.L_overlay_start_1:
0x0: {  	(tag) =	ssettag $0x1  }
0x1: {  	s0 =	rddreg [dreg:$0x0]  }
0x2: {  	s2 =	rddreg [dreg:$0x1]  }
0x3: {  	s1 =	rddreg [dreg:$0x2];
	s3 =	srdreg.scid  }
0x4: {  	s4 =	stileid.u32;
	s7 =	simm.s32 $0x0;
	s8 =	simm.s32 $0x400  }
0x5: {  	s10 =	simm.s32 $0x7A1400;
	s11 =	simm.s32 $0x1400;
	s12 =	simm.s32 $0x2400  }
0x6: {  	s13 =	simm.s32 $0x3400;
	s14 =	simm.s32 $0x4400;
	s15 =	simm.s32 $0x5400  }
0x7: {  	s16 =	simm.s32 $0x6400;
	s17 =	simm.s32 $0x7400;
	s18 =	simm.s32 $0x1  }
0x8: {  	s19 =	simm.s32 $0x2;
	s20 =	simm.s32 $0x3;
	s21 =	simm.s32 $0x4  }
0x9: {  	s22 =	simm.s32 $0x5;
	s23 =	simm.s32 $0x6;
	s3 =	sand.u32 $0x1, s3  }
0xa: {  	s24 =	simm.s32 $0x7;
	s4 =	sshll.u32 s4, $0xA;
	s5 =	sshll.u32 s3, $0x9  }
0xb: {  	[smem:$0x7FF] =	sst s7;
	s3 =	ssub.s32 $0x2, s3;
	s4 =	sor.u32 s5, s4  }
0xc: {  	_ =	strace $0x80000047;
	s6 =	sshrl.u32 s3, $0x1;
	s0 =	sadd.s32 s4, s0  }
0xd: {  	v0 =	vlaneseq.u32;
	s5 =	sshll.u32 s4, $0x4;
	s3 =	ssub.s32 s3, s6;
	s0 =	sadd.s32 $0x18000, s0  }
0xe: {  	v0 =	vmul.u32 $0x80, v0;
	s1 =	sadd.s32 s5, s1;
	s31 =	smax.u32 s3, $0x1;
	[dreg:$0x4] =	wrdreg s0  }
0xf: {  	s25 =	simm.s32 $0x8;
	s30 =	sadd.s32 $0x400, s1;
	[dreg:$0x6] =	wrdreg s31  }
0x10: {  	v1 =	vor.u32 $0x800, v0;
	s3 =	simm.s32 $0x9;
	s1 =	simm.s32 $0x0;
	[dreg:$0x5] =	wrdreg s30  }
.LBB2_1:
0x11: {  	[dreg:$0x7] =	wrdreg s1  }
0x12: {  	s0 =	rddreg [dreg:$0x4];
	s6 =	simm.s32 $0x100  }
0x13: {  	[tilespmem:s7], [sflag:$0x9] =	stream.strided.gather [hbm4b:s0+s6], $0x400, s8, s6, $0x38;
	[tilespmem:$0x18400] =	vst v63  }
0x14: {  	_ =	swait.ge [sflag:s3], $0x400  }
0x15: {  	[sflag:s3] =	ssyncset.done $0x0  }
0x16: {  	[sflag:s3] =	ssyncadd.s32 $0xFFFFFC00  }
0x17: {  	v2 =	vld [tilespmem:$0x80];
	_ =	sdelay $0x4  }
0x18: {  	(v2sf) =	vpush v2, $0x0  }
0x19: {  	(v2sf) =	vpush v2, $0x1;
	_ =	sdelay $0x1  }
0x1a: {  	(v2sf) =	vpush v2, $0x2;
	_ =	sdelay $0x4  }
0x1b: {  	(v2sf) =	vpush v2, $0x3  }
0x1c: {  	(v2sf) =	vpush v2, $0x4;
	_ =	sdelay $0x5  }
0x1d: {  	s7 =	spop (v2sf);
	(v2sf) =	vpush v2, $0x5  }
0x1e: {  	s9 =	spop (v2sf);
	(v2sf) =	vpush v2, $0x6  }
0x1f: {  	s0 =	sand.u32 $0xFFFFF80, s7  }
0x20: {  	s0 =	sadd.s32 s2, s0;
	s26 =	spop (v2sf)  }
0x21: {  	(v2sf) =	vpush v2, $0x7;
	[tilespmem:s8], [sflag:$0x1] =	stream.strided.gather [hbm4b:s0+s8], $0x1000, s10, s8, $0x38;
	[tilespmem:$0x18400] =	vst v63  }
0x22: {  	s0 =	sand.u32 $0xFFFFF80, s9  }
0x23: {  	s0 =	sadd.s32 s2, s0  }
0x24: {  	[tilespmem:s11], [sflag:$0x2] =	stream.strided.gather [hbm4b:s0+s8], $0x1000, s10, s8, $0x38;
	[tilespmem:$0x18400] =	vst v63  }
0x25: {  	s28 =	spop (v2sf);
	s0 =	sand.u32 $0xFFFFF80, s26  }
0x26: {  	s3 =	sand.u32 $0xFFFFF80, s28;
	s4 =	spop (v2sf);
	s0 =	sadd.s32 s2, s0  }
0x27: {  	[tilespmem:s12], [sflag:$0x3] =	stream.strided.gather [hbm4b:s0+s8], $0x1000, s10, s8, $0x38;
	[tilespmem:$0x18400] =	vst v63  }
0x28: {  	s5 =	sand.u32 $0xFFFFF80, s4;
	s0 =	sadd.s32 s2, s3  }
0x29: {  	[tilespmem:s13], [sflag:$0x4] =	stream.strided.gather [hbm4b:s0+s8], $0x1000, s10, s8, $0x38;
	[tilespmem:$0x18400] =	vst v63  }
0x2a: {  	s0 =	sadd.s32 s2, s5  }
0x2b: {  	[tilespmem:s14], [sflag:$0x5] =	stream.strided.gather [hbm4b:s0+s8], $0x1000, s10, s8, $0x38;
	[tilespmem:$0x18400] =	vst v63  }
0x2c: {  	s6 =	spop (v2sf)  }
0x2d: {  	s7 =	sand.u32 $0xFFFFF80, s6;
	s9 =	spop (v2sf)  }
0x2e: {  	s0 =	sadd.s32 s2, s7;
	s26 =	sand.u32 $0xFFFFF80, s9  }
0x2f: {  	[tilespmem:s15], [sflag:$0x6] =	stream.strided.gather [hbm4b:s0+s8], $0x1000, s10, s8, $0x38;
	[tilespmem:$0x18400] =	vst v63  }
0x30: {  	s28 =	spop (v2sf);
	s0 =	sadd.s32 s2, s26  }
0x31: {  	[tilespmem:s16], [sflag:$0x7] =	stream.strided.gather [hbm4b:s0+s8], $0x1000, s10, s8, $0x38;
	[tilespmem:$0x18400] =	vst v63  }
0x32: {  	s29 =	simm.s32 $0x20;
	s0 =	sand.u32 $0xFFFFF80, s28  }
0x33: {  	s30 =	simm.s32 $0x10;
	s31 =	simm.s32 $0x8800;
	s0 =	sadd.s32 s2, s0  }
0x34: {  	[tilespmem:s17], [sflag:$0x8] =	stream.strided.gather [hbm4b:s0+s8], $0x1000, s10, s8, $0x38;
	[tilespmem:$0x18400] =	vst v63  }
.LBB2_2:
0x35: {  	s0 =	sadd.s32 $0xFFFFFFF0, s30;
	s1 =	sadd.s32 $0xFFFFFFE0, s29  }
0x36: {  	s0 =	sand.u32 $0x70, s0;
	s1 =	sand.u32 $0x300, s1  }
0x37: {  	s0 =	sor.u32 s0, s1  }
0x38: {  	v3 =	vld [tilespmem:s0+$0x80];
	_ =	sdelay $0x1  }
0x39: {  	s3 =	sand.u32 $0x70, s30;
	s4 =	sand.u32 $0x300, s29  }
0x3a: {  	s0 =	sor.u32 s3, s4  }
0x3b: {  	v2 =	vld [tilespmem:s0+$0x80];
	_ =	swait.ge [sflag:s18], $0x1000  }
0x3c: {  	(v2sf) =	vpush v3, $0x0;
	_ =	sdelay $0xa  }
0x3d: {  	(v2sf) =	vpush v3, $0x8;
	_ =	sdelay $0x3  }
0x3e: {  	s5 =	spop (v2sf)  }
0x3f: {  	s0 =	sand.u32 $0x7F, s5  }
0x40: {  	v4 =	vor.u32 s0, v0  }
0x41: {  	v5 =	vor.u32 s0, v1;
	_ =	sdelay $0x1  }
0x42: {  	[sflag:s18] =	ssyncset.done $0x0  }
0x43: {  	[sflag:s18] =	ssyncadd.s32 $0xFFFFF000  }
0x44: {  	v4 =	vld.idx.msk [tilespmem:v4+s8+$0x0], $0xffff  }
0x45: {  	v5 =	vld.idx.msk [tilespmem:v5+s8+$0x0], $0xffff;
	_ =	sdelay $0x2  }
0x46: {  	s1 =	spop (v2sf)  }
0x47: {  	s6 =	sand.u32 $0xFFFFF80, s1;
	[tilespmem:s31+$0xFFFFFC00] =	vst v4  }
0x48: {  	s0 =	sadd.s32 s2, s6;
	[tilespmem:s31+$0xFFFFFC10] =	vst v5  }
0x49: {  	[tilespmem:s8], [sflag:$0x1] =	stream.strided.gather [hbm4b:s0+s8], $0x1000, s10, s8, $0x38;
	[tilespmem:$0x18400] =	vst v63  }
0x4a: {  	_ =	swait.ge [sflag:s19], $0x1000  }
0x4b: {  	(v2sf) =	vpush v3, $0x1;
	_ =	sdelay $0xa  }
0x4c: {  	(v2sf) =	vpush v3, $0x9;
	_ =	sdelay $0x3  }
0x4d: {  	s7 =	spop (v2sf)  }
0x4e: {  	s0 =	sand.u32 $0x7F, s7  }
0x4f: {  	v44 =	vor.u32 s0, v0  }
0x50: {  	v45 =	vor.u32 s0, v1;
	_ =	sdelay $0x1  }
0x51: {  	[sflag:s19] =	ssyncset.done $0x0  }
0x52: {  	[sflag:s19] =	ssyncadd.s32 $0xFFFFF000  }
0x53: {  	v4 =	vld.idx.msk [tilespmem:v44+s11+$0x0], $0xffff  }
0x54: {  	v5 =	vld.idx.msk [tilespmem:v45+s11+$0x0], $0xffff;
	_ =	sdelay $0x2  }
0x55: {  	s0 =	spop (v2sf)  }
0x56: {  	s3 =	sand.u32 $0xFFFFF80, s0;
	[tilespmem:s31+$0xFFFFFC80] =	vst v4  }
0x57: {  	s3 =	sadd.s32 s2, s3;
	[tilespmem:s31+$0xFFFFFC90] =	vst v5  }
0x58: {  	[tilespmem:s11], [sflag:$0x2] =	stream.strided.gather [hbm4b:s3+s8], $0x1000, s10, s8, $0x38;
	[tilespmem:$0x18400] =	vst v63  }
0x59: {  	_ =	swait.ge [sflag:s20], $0x1000  }
0x5a: {  	(v2sf) =	vpush v3, $0x2;
	_ =	sdelay $0xa  }
0x5b: {  	(v2sf) =	vpush v3, $0xA;
	_ =	sdelay $0x3  }
0x5c: {  	s9 =	spop (v2sf)  }
0x5d: {  	s3 =	sand.u32 $0x7F, s9  }
0x5e: {  	v46 =	vor.u32 s3, v0  }
0x5f: {  	v47 =	vor.u32 s3, v1;
	_ =	sdelay $0x1  }
0x60: {  	[sflag:s20] =	ssyncset.done $0x0  }
0x61: {  	[sflag:s20] =	ssyncadd.s32 $0xFFFFF000  }
0x62: {  	v4 =	vld.idx.msk [tilespmem:v46+s12+$0x0], $0xffff  }
0x63: {  	v5 =	vld.idx.msk [tilespmem:v47+s12+$0x0], $0xffff;
	_ =	sdelay $0x2  }
0x64: {  	s7 =	spop (v2sf)  }
0x65: {  	s26 =	sand.u32 $0xFFFFF80, s7;
	[tilespmem:s31+$0xFFFFFD00] =	vst v4  }
0x66: {  	s3 =	sadd.s32 s2, s26;
	[tilespmem:s31+$0xFFFFFD10] =	vst v5  }
0x67: {  	[tilespmem:s12], [sflag:$0x3] =	stream.strided.gather [hbm4b:s3+s8], $0x1000, s10, s8, $0x38;
	[tilespmem:$0x18400] =	vst v63  }
0x68: {  	_ =	swait.ge [sflag:s21], $0x1000  }
0x69: {  	(v2sf) =	vpush v3, $0x3;
	_ =	sdelay $0xa  }
0x6a: {  	(v2sf) =	vpush v3, $0xB;
	_ =	sdelay $0x3  }
0x6b: {  	s28 =	spop (v2sf)  }
0x6c: {  	s3 =	sand.u32 $0x7F, s28  }
0x6d: {  	v48 =	vor.u32 s3, v0  }
0x6e: {  	v49 =	vor.u32 s3, v1;
	_ =	sdelay $0x1  }
0x6f: {  	[sflag:s21] =	ssyncset.done $0x0  }
0x70: {  	[sflag:s21] =	ssyncadd.s32 $0xFFFFF000  }
0x71: {  	v4 =	vld.idx.msk [tilespmem:v48+s13+$0x0], $0xffff  }
0x72: {  	v5 =	vld.idx.msk [tilespmem:v49+s13+$0x0], $0xffff;
	_ =	sdelay $0x2  }
0x73: {  	s26 =	spop (v2sf)  }
0x74: {  	s4 =	sand.u32 $0xFFFFF80, s26;
	[tilespmem:s31+$0xFFFFFD80] =	vst v4  }
0x75: {  	s3 =	sadd.s32 s2, s4;
	[tilespmem:s31+$0xFFFFFD90] =	vst v5  }
0x76: {  	[tilespmem:s13], [sflag:$0x4] =	stream.strided.gather [hbm4b:s3+s8], $0x1000, s10, s8, $0x38;
	[tilespmem:$0x18400] =	vst v63  }
0x77: {  	_ =	swait.ge [sflag:s22], $0x1000  }
0x78: {  	(v2sf) =	vpush v3, $0x4;
	_ =	sdelay $0xa  }
0x79: {  	(v2sf) =	vpush v3, $0xC;
	_ =	sdelay $0x3  }
0x7a: {  	s5 =	spop (v2sf)  }
0x7b: {  	s3 =	sand.u32 $0x7F, s5  }
0x7c: {  	v50 =	vor.u32 s3, v0  }
0x7d: {  	v51 =	vor.u32 s3, v1;
	_ =	sdelay $0x1  }
0x7e: {  	[sflag:s22] =	ssyncset.done $0x0  }
0x7f: {  	[sflag:s22] =	ssyncadd.s32 $0xFFFFF000  }
0x80: {  	v4 =	vld.idx.msk [tilespmem:v50+s14+$0x0], $0xffff  }
0x81: {  	v5 =	vld.idx.msk [tilespmem:v51+s14+$0x0], $0xffff;
	_ =	sdelay $0x2  }
0x82: {  	s3 =	spop (v2sf)  }
0x83: {  	s4 =	sand.u32 $0xFFFFF80, s3;
	[tilespmem:s31+$0xFFFFFE00] =	vst v4  }
0x84: {  	s4 =	sadd.s32 s2, s4;
	[tilespmem:s31+$0xFFFFFE10] =	vst v5  }
0x85: {  	[tilespmem:s14], [sflag:$0x5] =	stream.strided.gather [hbm4b:s4+s8], $0x1000, s10, s8, $0x38;
	[tilespmem:$0x18400] =	vst v63  }
0x86: {  	_ =	swait.ge [sflag:s23], $0x1000  }
0x87: {  	(v2sf) =	vpush v3, $0x5;
	_ =	sdelay $0xa  }
0x88: {  	(v2sf) =	vpush v3, $0xD;
	_ =	sdelay $0x3  }
0x89: {  	s6 =	spop (v2sf)  }
0x8a: {  	s4 =	sand.u32 $0x7F, s6  }
0x8b: {  	v52 =	vor.u32 s4, v0  }
0x8c: {  	v53 =	vor.u32 s4, v1;
	_ =	sdelay $0x1  }
0x8d: {  	[sflag:s23] =	ssyncset.done $0x0  }
0x8e: {  	[sflag:s23] =	ssyncadd.s32 $0xFFFFF000  }
0x8f: {  	v4 =	vld.idx.msk [tilespmem:v52+s15+$0x0], $0xffff  }
0x90: {  	v5 =	vld.idx.msk [tilespmem:v53+s15+$0x0], $0xffff;
	_ =	sdelay $0x2  }
0x91: {  	s4 =	spop (v2sf)  }
0x92: {  	s5 =	sand.u32 $0xFFFFF80, s4;
	[tilespmem:s31+$0xFFFFFE80] =	vst v4  }
0x93: {  	s5 =	sadd.s32 s2, s5;
	[tilespmem:s31+$0xFFFFFE90] =	vst v5  }
0x94: {  	[tilespmem:s15], [sflag:$0x6] =	stream.strided.gather [hbm4b:s5+s8], $0x1000, s10, s8, $0x38;
	[tilespmem:$0x18400] =	vst v63  }
0x95: {  	_ =	swait.ge [sflag:s24], $0x1000  }
0x96: {  	(v2sf) =	vpush v3, $0x6;
	_ =	sdelay $0xa  }
0x97: {  	(v2sf) =	vpush v3, $0xE;
	_ =	sdelay $0x3  }
0x98: {  	s9 =	spop (v2sf)  }
0x99: {  	s5 =	sand.u32 $0x7F, s9  }
0x9a: {  	v54 =	vor.u32 s5, v0  }
0x9b: {  	v55 =	vor.u32 s5, v1;
	_ =	sdelay $0x1  }
0x9c: {  	[sflag:s24] =	ssyncset.done $0x0  }
0x9d: {  	[sflag:s24] =	ssyncadd.s32 $0xFFFFF000  }
0x9e: {  	v4 =	vld.idx.msk [tilespmem:v54+s16+$0x0], $0xffff  }
0x9f: {  	v5 =	vld.idx.msk [tilespmem:v55+s16+$0x0], $0xffff;
	_ =	sdelay $0x2  }
0xa0: {  	s5 =	spop (v2sf)  }
0xa1: {  	s6 =	sand.u32 $0xFFFFF80, s5;
	[tilespmem:s31+$0xFFFFFF00] =	vst v4  }
0xa2: {  	s6 =	sadd.s32 s2, s6;
	[tilespmem:s31+$0xFFFFFF10] =	vst v5  }
0xa3: {  	[tilespmem:s16], [sflag:$0x7] =	stream.strided.gather [hbm4b:s6+s8], $0x1000, s10, s8, $0x38;
	[tilespmem:$0x18400] =	vst v63  }
0xa4: {  	_ =	swait.ge [sflag:s25], $0x1000  }
0xa5: {  	(v2sf) =	vpush v3, $0x7;
	_ =	sdelay $0xa  }
0xa6: {  	(v2sf) =	vpush v3, $0xF;
	_ =	sdelay $0x3  }
0xa7: {  	s28 =	spop (v2sf)  }
0xa8: {  	s6 =	sand.u32 $0x7F, s28  }
0xa9: {  	v3 =	vor.u32 s6, v0  }
0xaa: {  	v56 =	vor.u32 s6, v1;
	_ =	sdelay $0x1  }
0xab: {  	[sflag:s25] =	ssyncset.done $0x0  }
0xac: {  	[sflag:s25] =	ssyncadd.s32 $0xFFFFF000  }
0xad: {  	v3 =	vld.idx.msk [tilespmem:v3+s17+$0x0], $0xffff  }
0xae: {  	v4 =	vld.idx.msk [tilespmem:v56+s17+$0x0], $0xffff;
	_ =	sdelay $0x2  }
0xaf: {  	s6 =	spop (v2sf)  }
0xb0: {  	s9 =	sand.u32 $0xFFFFF80, s6;
	[tilespmem:s31+$0xFFFFFF80] =	vst v3  }
0xb1: {  	s9 =	sadd.s32 s2, s9;
	[tilespmem:s31+$0xFFFFFF90] =	vst v4  }
0xb2: {  	[tilespmem:s17], [sflag:$0x8] =	stream.strided.gather [hbm4b:s9+s8], $0x1000, s10, s8, $0x38;
	[tilespmem:$0x18400] =	vst v63  }
0xb3: {  	p0 =	seq.s32 s29, $0x400;
	_ =	swait.ge [sflag:s18], $0x1000  }
0xb4: {  	(v2sf) =	vpush @!p0 v2, $0x0;
	_ =	sdelay $0x4  }
0xb5: {  	s1 =	sand.u32 $0x7F, s1  }
0xb6: {  	v3 =	vor.u32 s1, v0  }
0xb7: {  	v57 =	vor.u32 s1, v1;
	_ =	sdelay $0x1  }
0xb8: {  	[sflag:s18] =	ssyncset.done $0x0  }
0xb9: {  	[sflag:s18] =	ssyncadd.s32 $0xFFFFF000  }
0xba: {  	v3 =	vld.idx.msk [tilespmem:v3+s8+$0x0], $0xffff  }
0xbb: {  	v4 =	vld.idx.msk [tilespmem:v57+s8+$0x0], $0xffff;
	_ =	sdelay $0x2  }
0xbc: {  	s1 =	spop @!p0 (v2sf)  }
0xbd: {  	[tilespmem:s31+$0x0] =	vst v3;
	s1 =	sand.u32 @!p0 $0xFFFFF80, s1  }
0xbe: {  	s9 =	simm.s32 @!p0 $0x400;
	[tilespmem:s31+$0x10] =	vst v4;
	s28 =	sadd.s32 @!p0 s2, s1;
	s1 =	simm.s32 @!p0 $0x7A1400  }
0xbf: {  	[tilespmem:s9], [sflag:$0x1] =	stream.strided.gather @!p0 [hbm4b:s28+s9], $0x1000, s1, s9, $0x38;
	[tilespmem:$0x18400] =	vst v63  }
0xc0: {  	_ =	swait.ge [sflag:s19], $0x1000  }
0xc1: {  	(v2sf) =	vpush @!p0 v2, $0x1;
	_ =	sdelay $0x4  }
0xc2: {  	s0 =	sand.u32 $0x7F, s0  }
0xc3: {  	v3 =	vor.u32 s0, v0  }
0xc4: {  	v58 =	vor.u32 s0, v1;
	_ =	sdelay $0x1  }
0xc5: {  	[sflag:s19] =	ssyncset.done $0x0  }
0xc6: {  	[sflag:s19] =	ssyncadd.s32 $0xFFFFF000  }
0xc7: {  	v3 =	vld.idx.msk [tilespmem:v3+s11+$0x0], $0xffff  }
0xc8: {  	v4 =	vld.idx.msk [tilespmem:v58+s11+$0x0], $0xffff;
	_ =	sdelay $0x2  }
0xc9: {  	s0 =	spop @!p0 (v2sf)  }
0xca: {  	[tilespmem:s31+$0x80] =	vst v3;
	s0 =	sand.u32 @!p0 $0xFFFFF80, s0  }
0xcb: {  	s28 =	simm.s32 @!p0 $0x1400;
	[tilespmem:s31+$0x90] =	vst v4;
	s0 =	sadd.s32 @!p0 s2, s0  }
0xcc: {  	[tilespmem:s28], [sflag:$0x2] =	stream.strided.gather @!p0 [hbm4b:s0+s9], $0x1000, s1, s9, $0x38;
	[tilespmem:$0x18400] =	vst v63  }
0xcd: {  	_ =	swait.ge [sflag:s20], $0x1000  }
0xce: {  	(v2sf) =	vpush @!p0 v2, $0x2;
	_ =	sdelay $0x4  }
0xcf: {  	s7 =	sand.u32 $0x7F, s7  }
0xd0: {  	v3 =	vor.u32 s7, v0  }
0xd1: {  	v59 =	vor.u32 s7, v1;
	_ =	sdelay $0x1  }
0xd2: {  	[sflag:s20] =	ssyncset.done $0x0  }
0xd3: {  	[sflag:s20] =	ssyncadd.s32 $0xFFFFF000  }
0xd4: {  	v3 =	vld.idx.msk [tilespmem:v3+s12+$0x0], $0xffff  }
0xd5: {  	v4 =	vld.idx.msk [tilespmem:v59+s12+$0x0], $0xffff;
	_ =	sdelay $0x2  }
0xd6: {  	s0 =	spop @!p0 (v2sf)  }
0xd7: {  	[tilespmem:s31+$0x100] =	vst v3;
	s0 =	sand.u32 @!p0 $0xFFFFF80, s0  }
0xd8: {  	s7 =	simm.s32 @!p0 $0x2400;
	[tilespmem:s31+$0x110] =	vst v4;
	s0 =	sadd.s32 @!p0 s2, s0  }
0xd9: {  	[tilespmem:s7], [sflag:$0x3] =	stream.strided.gather @!p0 [hbm4b:s0+s9], $0x1000, s1, s9, $0x38;
	[tilespmem:$0x18400] =	vst v63  }
0xda: {  	_ =	swait.ge [sflag:s21], $0x1000  }
0xdb: {  	(v2sf) =	vpush @!p0 v2, $0x3;
	_ =	sdelay $0x4  }
0xdc: {  	s28 =	sand.u32 $0x7F, s26  }
0xdd: {  	v3 =	vor.u32 s28, v0  }
0xde: {  	v60 =	vor.u32 s28, v1;
	_ =	sdelay $0x1  }
0xdf: {  	[sflag:s21] =	ssyncset.done $0x0  }
0xe0: {  	[sflag:s21] =	ssyncadd.s32 $0xFFFFF000  }
0xe1: {  	v3 =	vld.idx.msk [tilespmem:v3+s13+$0x0], $0xffff  }
0xe2: {  	v4 =	vld.idx.msk [tilespmem:v60+s13+$0x0], $0xffff;
	_ =	sdelay $0x2  }
0xe3: {  	s0 =	spop @!p0 (v2sf)  }
0xe4: {  	[tilespmem:s31+$0x180] =	vst v3;
	s0 =	sand.u32 @!p0 $0xFFFFF80, s0  }
0xe5: {  	s7 =	simm.s32 @!p0 $0x3400;
	[tilespmem:s31+$0x190] =	vst v4;
	s0 =	sadd.s32 @!p0 s2, s0  }
0xe6: {  	[tilespmem:s7], [sflag:$0x4] =	stream.strided.gather @!p0 [hbm4b:s0+s9], $0x1000, s1, s9, $0x38;
	[tilespmem:$0x18400] =	vst v63  }
0xe7: {  	_ =	swait.ge [sflag:s22], $0x1000  }
0xe8: {  	(v2sf) =	vpush @!p0 v2, $0x4;
	_ =	sdelay $0x4  }
0xe9: {  	s3 =	sand.u32 $0x7F, s3  }
0xea: {  	v3 =	vor.u32 s3, v0  }
0xeb: {  	v61 =	vor.u32 s3, v1;
	_ =	sdelay $0x1  }
0xec: {  	[sflag:s22] =	ssyncset.done $0x0  }
0xed: {  	[sflag:s22] =	ssyncadd.s32 $0xFFFFF000  }
0xee: {  	v3 =	vld.idx.msk [tilespmem:v3+s14+$0x0], $0xffff  }
0xef: {  	v4 =	vld.idx.msk [tilespmem:v61+s14+$0x0], $0xffff;
	_ =	sdelay $0x2  }
0xf0: {  	s0 =	spop @!p0 (v2sf)  }
0xf1: {  	[tilespmem:s31+$0x200] =	vst v3;
	s0 =	sand.u32 @!p0 $0xFFFFF80, s0  }
0xf2: {  	s3 =	simm.s32 @!p0 $0x4400;
	[tilespmem:s31+$0x210] =	vst v4;
	s0 =	sadd.s32 @!p0 s2, s0  }
0xf3: {  	[tilespmem:s3], [sflag:$0x5] =	stream.strided.gather @!p0 [hbm4b:s0+s9], $0x1000, s1, s9, $0x38;
	[tilespmem:$0x18400] =	vst v63  }
0xf4: {  	_ =	swait.ge [sflag:s23], $0x1000  }
0xf5: {  	(v2sf) =	vpush @!p0 v2, $0x5;
	_ =	sdelay $0x4  }
0xf6: {  	s7 =	sand.u32 $0x7F, s4  }
0xf7: {  	v3 =	vor.u32 s7, v0  }
0xf8: {  	v62 =	vor.u32 s7, v1;
	_ =	sdelay $0x1  }
0xf9: {  	[sflag:s23] =	ssyncset.done $0x0  }
0xfa: {  	[sflag:s23] =	ssyncadd.s32 $0xFFFFF000  }
0xfb: {  	v3 =	vld.idx.msk [tilespmem:v3+s15+$0x0], $0xffff  }
0xfc: {  	v4 =	vld.idx.msk [tilespmem:v62+s15+$0x0], $0xffff;
	_ =	sdelay $0x2  }
0xfd: {  	s0 =	spop @!p0 (v2sf)  }
0xfe: {  	[tilespmem:s31+$0x280] =	vst v3;
	s0 =	sand.u32 @!p0 $0xFFFFF80, s0  }
0xff: {  	s3 =	simm.s32 @!p0 $0x5400;
	[tilespmem:s31+$0x290] =	vst v4;
	s0 =	sadd.s32 @!p0 s2, s0  }
0x100: {  	[tilespmem:s3], [sflag:$0x6] =	stream.strided.gather @!p0 [hbm4b:s0+s9], $0x1000, s1, s9, $0x38;
	[tilespmem:$0x18400] =	vst v63  }
0x101: {  	_ =	swait.ge [sflag:s24], $0x1000  }
0x102: {  	(v2sf) =	vpush @!p0 v2, $0x6;
	_ =	sdelay $0x4  }
0x103: {  	s26 =	sand.u32 $0x7F, s5  }
0x104: {  	v3 =	vor.u32 s26, v0  }
0x105: {  	v63 =	vor.u32 s26, v1;
	_ =	sdelay $0x1  }
0x106: {  	[sflag:s24] =	ssyncset.done $0x0  }
0x107: {  	[sflag:s24] =	ssyncadd.s32 $0xFFFFF000  }
0x108: {  	v3 =	vld.idx.msk [tilespmem:v3+s16+$0x0], $0xffff  }
0x109: {  	v4 =	vld.idx.msk [tilespmem:v63+s16+$0x0], $0xffff;
	_ =	sdelay $0x2  }
0x10a: {  	s0 =	spop @!p0 (v2sf)  }
0x10b: {  	[tilespmem:s31+$0x300] =	vst v3;
	s0 =	sand.u32 @!p0 $0xFFFFF80, s0  }
0x10c: {  	s3 =	simm.s32 @!p0 $0x6400;
	[tilespmem:s31+$0x310] =	vst v4;
	s0 =	sadd.s32 @!p0 s2, s0  }
0x10d: {  	[tilespmem:s3], [sflag:$0x7] =	stream.strided.gather @!p0 [hbm4b:s0+s9], $0x1000, s1, s9, $0x38;
	[tilespmem:$0x18400] =	vst v63  }
0x10e: {  	_ =	swait.ge [sflag:s25], $0x1000  }
0x10f: {  	(v2sf) =	vpush @!p0 v2, $0x7;
	_ =	sdelay $0x4  }
0x110: {  	s28 =	sand.u32 $0x7F, s6  }
0x111: {  	v3 =	vor.u32 s28, v1  }
0x112: {  	v2 =	vor.u32 s28, v0;
	_ =	sdelay $0x1  }
0x113: {  	[sflag:s25] =	ssyncset.done $0x0  }
0x114: {  	[sflag:s25] =	ssyncadd.s32 $0xFFFFF000  }
0x115: {  	s29 =	sadd.s32 @!p0 $0x20, s29;
	v3 =	vld.idx.msk [tilespmem:v3+s17+$0x0], $0xffff  }
0x116: {  	p1 =	sne.s32 @!p0 s29, $0x420;
	v2 =	vld.idx.msk [tilespmem:v2+s17+$0x0], $0xffff  }
0x117: {  	p1 =	por p0, !p1  }
.Ltmp0:
0x118: {  	_ = 	snop;
	(pc) =	sbr.rel @!p1 .LBB2_2-.Ltmp0, $4  }
0x119: {  	s0 =	spop @!p0 (v2sf)  }
0x11a: {  	s30 =	sadd.s32 @!p0 $0x10, s30;
	[tilespmem:s31+$0x390] =	vst v3;
	s0 =	sand.u32 @!p0 $0xFFFFF80, s0  }
0x11b: {  	s3 =	simm.s32 @!p0 $0x7400;
	[tilespmem:s31+$0x380] =	vst v2;
	s31 =	sadd.s32 @!p0 $0x800, s31;
	s0 =	sadd.s32 @!p0 s2, s0  }
0x11c: {  	[tilespmem:s3], [sflag:$0x8] =	stream.strided.gather @!p0 [hbm4b:s0+s9], $0x1000, s1, s9, $0x38;
	[tilespmem:$0x18400] =	vst v63  }
0x11d: {  	s7 =	simm.s32 $0x0  }
0x11e: {  	s0 =	rddreg [dreg:$0x5];
	s1 =	simm.s32 $0x8400;
	s3 =	simm.s32 $0x9  }
0x11f: {  	[hbm4b:s0+s7] =	stream.linear.scatter [tilespmem:s1], [sflag:$0x9], $0x10000, $0x38;
	[tilespmem:$0x18400] =	vst v63  }
0x120: {  	_ =	swait.ge [sflag:s3], $0x10000  }
0x121: {  	s30 =	rddreg [dreg:$0x7]  }
0x122: {  	s31 =	rddreg [dreg:$0x6];
	s1 =	sadd.s32 $0x1, s30  }
0x123: {  	p0 =	sne.s32 s1, s31  }
.Ltmp1:
0x124: {  	_ = 	snop;
	(pc) =	sbr.rel @p0 .LBB2_1-.Ltmp1, $3  }
0x125: {  	_ =	sdelay $0x1  }
0x126: {  	[sflag:s3] =	ssyncset.done $0x0  }
0x127: {  	[sflag:s3] =	ssyncadd.s32 $0xFFFF0000  }
0x128: {  	_ =	sfence.sel $0x180000  }
0x129: {  	[bflag:$0x0] =	sbarrier.arrive $0xFFFF  }
0x12a: {  	_ =	strace $0x90000047  }
0x12b: {  	s0 =	stileid.u32;
	[bflag:$0x2] =	sbarrier.arrive $0xFFFF  }
0x12c: {  	p0 =	sne.s32 s0, $0x0;
	s0 =	rddreg [dreg:$0x3]  }
0x12d: {  	s0 =	sadd.s32 @!p0 $0x100000, s0  }
0x12e: {  	[sflag:s0] =	ssyncadd.tile.s32 @!p0 $0x1;
	_ =	shalt  }
.Lfunc_end2:
_tile_overlayer_lowered:
.L_overlay_start_2:
0x12f: {  	(tag) =	ssettag $0x2  }
0x130: {  	s0 =	rddreg [dreg:$0x0];
	s2 =	stileid.u32  }
0x131: {  	s1 =	rddreg [dreg:$0x1];
	p0 =	sne.s32 s2, $0x0  }
0x132: {  	s3 =	rddreg [dreg:$0x2];
	[bflag:$0x3] =	sbarrier.arrive $0xFFFF;
	s2 =	simm.s32 @!p0 $0x1C09  }
0x133: {  	[timem:s3], [sflag:s2] =	dma.local @!p0 [hbm:s0], s1  }
0x134: {  	s0 =	simm.s32 @!p0 $0x9  }
0x135: {  	_ =	swait.ge @!p0 [sflag:s0], s1  }
0x136: {  	s1 =	ssub.s32 @!p0 $0x0, s1;
	[sflag:s0] =	ssyncset.done @!p0 $0x0  }
0x137: {  	[sflag:s0] =	ssyncadd.s32 @!p0 s1  }
0x138: {  	[bflag:$0x3] =	sbarrier.arrive $0xFFFF  }
0x139: {  	_ =	shalt  }

</sc_bundles>
